<compile_context>
chip_gen: v7x
topology: tpu7x:2x2x1
jax: 0.10.2.dev20260603
libtpu: 0.0.44.dev20260713+nightly
codegen_flags: <defaults>
</compile_context>

<pallas_src>
import functools

import jax
import jax.numpy as jnp
from jax import lax
from jax.experimental import pallas as pl
from jax.experimental.pallas import tpu as pltpu
from jax.experimental.pallas import tpu_sc as plsc

_NUM_CLS = 64
_BUDGET = 10
_PAD_ROWS = 16
_NPOS = 1024
_SC_CHUNK = _NPOS // 32


def _select_body(x_ref, w_ref, b_ref, loss_ref, selidx_ref, rv_ref, ri_ref,
                 p_ref, *, block_rows, num_blocks):
    pid = pl.program_id(0)
    half = block_rows // 2

    @pl.when(pid == 0)
    def _init():
        rv_ref[...] = jnp.full((_PAD_ROWS, _NUM_CLS), -1.0, jnp.float32)
        ri_ref[...] = jnp.zeros((_PAD_ROWS, _NUM_CLS), jnp.int32)

    logits = jnp.dot(x_ref[...], w_ref[...],
                     preferred_element_type=jnp.float32) + b_ref[...]
    mrow = jnp.max(logits, axis=1, keepdims=True)
    e = jnp.exp(logits - mrow)
    probs = e / jnp.sum(e, axis=1, keepdims=True)

    pf = jnp.concatenate([probs[:half], probs[half:]], axis=1)
    p_ref[...] = pf

    thr = rv_ref[_BUDGET - 1:_BUDGET, :]
    over = pf > jnp.concatenate([thr, thr], axis=1)
    cnt = jnp.sum(over.astype(jnp.int32), axis=0, keepdims=True)
    mneed = jnp.max(jnp.minimum(cnt, _BUDGET))

    rowi = jax.lax.broadcasted_iota(jnp.int32, (half, 2 * _NUM_CLS), 0)
    rowi16 = jax.lax.broadcasted_iota(jnp.int32, (_PAD_ROWS, _NUM_CLS), 0)
    rmask10 = rowi16 < _BUDGET

    for r in range(_BUDGET):
        @pl.when(r < mneed)
        def _round(r=r):
            v = p_ref[...]
            best = jnp.max(v, axis=0, keepdims=True)
            frow = jnp.min(jnp.where(v == best, rowi, half), axis=0,
                           keepdims=True)
            p_ref[...] = jnp.where(rowi == frow, -1.0, v)
            gidx = pid * block_rows + frow
            for h in range(2):
                x = best[:, h * _NUM_CLS:(h + 1) * _NUM_CLS]
                xi = gidx[:, h * _NUM_CLS:(h + 1) * _NUM_CLS] + h * half
                rv = rv_ref[...]
                ri = ri_ref[...]
                stay = (rv > x) | ((rv == x) & (ri < xi))
                pos = jnp.sum((stay & rmask10).astype(jnp.int32), axis=0,
                              keepdims=True)
                rvd = jnp.concatenate([rv[:1], rv[:-1]], axis=0)
                rid = jnp.concatenate([ri[:1], ri[:-1]], axis=0)
                newv = jnp.where(rowi16 < pos, rv,
                                 jnp.where(rowi16 == pos, x, rvd))
                newi = jnp.where(rowi16 < pos, ri,
                                 jnp.where(rowi16 == pos, xi, rid))
                rv_ref[...] = jnp.where(rmask10, newv, -1.0)
                ri_ref[...] = jnp.where(rmask10, newi, 0)

    @pl.when(pid == num_blocks - 1)
    def _emit():
        lv = jnp.log(jnp.where(rmask10, rv_ref[...], 1.0))
        loss_ref[...] = (-jnp.sum(lv) / (_NUM_CLS * _BUDGET)).reshape(1, 1)
        selidx_ref[...] = ri_ref[...]


def _stats_body(row_ref, col_ref, part_ref, nuniq_ref, ncorrect_ref):
    a = row_ref[...]
    b = col_ref[...]
    eq = b == a
    r = jax.lax.broadcasted_iota(jnp.int32, (640, 640), 0)
    c = jax.lax.broadcasted_iota(jnp.int32, (640, 640), 1)
    dup_counts = jnp.sum(jnp.where(eq & (r < c), 1, 0), axis=0)
    ndup = jnp.sum(jnp.where(dup_counts > 0, 1, 0).astype(jnp.int32))
    nuniq_ref[...] = (640 - ndup).reshape(1, 1)
    ncorrect_ref[...] = jnp.sum(part_ref[...]).reshape(1, 1)


def _make_sc_ncorrect():
    mesh = plsc.VectorSubcoreMesh(core_axis_name="c", subcore_axis_name="s")

    @functools.partial(
        pl.kernel, mesh=mesh,
        out_type=jax.ShapeDtypeStruct((32, 16), jnp.int32),
        scratch_types=[
            pltpu.VMEM((_SC_CHUNK,), jnp.int32),
            pltpu.VMEM((_SC_CHUNK,), jnp.int32),
            pltpu.VMEM((_SC_CHUNK,), jnp.int32),
            pltpu.VMEM((16,), jnp.int32),
            pltpu.SemaphoreType.DMA,
        ],
    )
    def sc_ncorrect(idx_hbm, tgt_hbm, plab_hbm, nc_out,
                    ich_v, tch_v, pch_v, row_v, sem):
        wid = lax.axis_index("s") * 2 + lax.axis_index("c")
        pltpu.sync_copy(idx_hbm.at[pl.ds(wid * _SC_CHUNK, _SC_CHUNK)], ich_v)
        pltpu.sync_copy(plab_hbm.at[pl.ds(wid * _SC_CHUNK, _SC_CHUNK)], pch_v)
        pltpu.async_copy(tgt_hbm.at[ich_v], tch_v, sem).wait()
        accnc = jnp.zeros((16,), jnp.int32)
        for j in range(_SC_CHUNK // 16):
            eq = tch_v[pl.ds(j * 16, 16)] == pch_v[pl.ds(j * 16, 16)]
            accnc = accnc + jnp.where(eq, 1, 0).astype(jnp.int32)
        row_v[...] = accnc
        pltpu.sync_copy(row_v, nc_out.at[wid])

    return sc_ncorrect


@jax.jit
def kernel(unlabeled_inputs, unlabeled_targets, W, b):
    n, d = unlabeled_inputs.shape
    num_blocks = 16
    block_rows = n // num_blocks

    select = pl.pallas_call(
        functools.partial(_select_body, block_rows=block_rows,
                          num_blocks=num_blocks),
        grid=(num_blocks,),
        in_specs=[
            pl.BlockSpec((block_rows, d), lambda i: (i, 0)),
            pl.BlockSpec((d, _NUM_CLS), lambda i: (0, 0)),
            pl.BlockSpec((1, _NUM_CLS), lambda i: (0, 0)),
        ],
        out_specs=[
            pl.BlockSpec((1, 1), lambda i: (0, 0)),
            pl.BlockSpec((_PAD_ROWS, _NUM_CLS), lambda i: (0, 0)),
        ],
        out_shape=[
            jax.ShapeDtypeStruct((1, 1), jnp.float32),
            jax.ShapeDtypeStruct((_PAD_ROWS, _NUM_CLS), jnp.int32),
        ],
        scratch_shapes=[
            pltpu.VMEM((_PAD_ROWS, _NUM_CLS), jnp.float32),
            pltpu.VMEM((_PAD_ROWS, _NUM_CLS), jnp.int32),
            pltpu.VMEM((block_rows // 2, 2 * _NUM_CLS), jnp.float32),
        ],
        compiler_params=pltpu.CompilerParams(
            dimension_semantics=("arbitrary",)),
    )
    loss2d, selidx_rc = select(unlabeled_inputs, W, b.reshape(1, _NUM_CLS))

    selected_idx = selidx_rc.T[:, :_BUDGET].reshape(-1)

    idx_pad = jnp.concatenate(
        [selected_idx, jnp.zeros((_NPOS - 640,), jnp.int32)])
    plab_pad = jnp.concatenate(
        [jnp.repeat(jnp.arange(_NUM_CLS, dtype=jnp.int32), _BUDGET),
         jnp.full((_NPOS - 640,), -1, jnp.int32)])
    nc_parts = _make_sc_ncorrect()(idx_pad, unlabeled_targets, plab_pad)

    nuniq2d, ncorrect2d = pl.pallas_call(
        _stats_body,
        in_specs=[
            pl.BlockSpec((1, 640), lambda: (0, 0)),
            pl.BlockSpec((640, 1), lambda: (0, 0)),
            pl.BlockSpec((32, 16), lambda: (0, 0)),
        ],
        out_specs=[
            pl.BlockSpec((1, 1), lambda: (0, 0)),
            pl.BlockSpec((1, 1), lambda: (0, 0)),
        ],
        out_shape=[
            jax.ShapeDtypeStruct((1, 1), jnp.int32),
            jax.ShapeDtypeStruct((1, 1), jnp.int32),
        ],
    )(selected_idx.reshape(1, 640), selected_idx.reshape(640, 1), nc_parts)

    return (loss2d[0, 0], selected_idx, ncorrect2d[0, 0], nuniq2d[0, 0])

# --- scband reference (transcript-rebuilt; emitter-appended) ---
"""Pipeline reference for scband-pltop-z-53876069761359 (READ-ONLY COPY).

The authoritative reference and input builder live on the scoring server;
editing this copy changes nothing except your own understanding.
"""

import jax, jax.numpy as jnp
import numpy as np

NUM_CLS = 64
TOPZ = 640
N = 16384
D = 1024

def setup_inputs(seed: int = 0) -> dict:
    key = jax.random.key(seed)
    k1, k2, k3 = jax.random.split(key, 3)
    unlabeled_inputs = jax.random.normal(k1, (N, D), dtype=jnp.float32)
    unlabeled_targets = jax.random.randint(k2, (N,), 0, NUM_CLS)
    W = jax.random.normal(k3, (D, NUM_CLS), dtype=jnp.float32) * 0.02
    b = jnp.zeros((NUM_CLS,), dtype=jnp.float32)
    return {"unlabeled_inputs": unlabeled_inputs, "unlabeled_targets": unlabeled_targets, "W": W, "b": b}

def _model(x, W, b):
    # the external `model(inputs, params=params)` realized as a linear classifier
    return x @ W + b

def reference(unlabeled_inputs, unlabeled_targets, W, b):
    num_cls = NUM_CLS
    budget_per_class = TOPZ // num_cls  # 10
    # torch.no_grad() model call for selection
    outputs_unlabeled = jax.lax.stop_gradient(_model(unlabeled_inputs, W, b))
    y_probs = jax.nn.softmax(outputs_unlabeled, axis=1)
    # torch.topk(y_probs, budget, dim=0) -> top-k over samples per class column
    selected_scores_t, selected_idx_t = jax.lax.top_k(y_probs.T, budget_per_class)  # [num_cls, budget]
    # torch: selected_idx_tensor.t().reshape(-1) == row-major flatten of [num_cls, budget]
    selected_idx = selected_idx_t.reshape(-1)
    selected_pseudolabels = jnp.repeat(jnp.arange(num_cls), budget_per_class)
    gt_mask = jnp.zeros_like(unlabeled_targets).at[selected_idx].set(1)
    num_select_wo_duplicate = gt_mask.sum(0)
    # scenario 'woDistractor' stats
    selected_targets = unlabeled_targets[selected_idx]
    num_selected_correct = jnp.sum(selected_targets == selected_pseudolabels)
    # second model pass on selected samples (with grad in torch)
    selected_unlabel_samples = unlabeled_inputs[selected_idx]
    select_output = _model(selected_unlabel_samples, W, b)
    # select_true_label=False -> one-hot of pseudolabels (torch.eye(n)[y])
    p_target = jax.nn.one_hot(selected_pseudolabels, num_cls, dtype=jnp.float32)
    losses_selected = -(jax.lax.stop_gradient(p_target) * jax.nn.log_softmax(select_output, axis=1)).sum(1)
    loss_selected = jnp.sum(losses_selected) / selected_idx.shape[0]
    return (loss_selected, selected_idx, num_selected_correct, num_select_wo_duplicate)

if __name__ == "__main__":
    import jax
    _d = setup_inputs()
    print(jax.jit(kernel)(*tuple(_d.values())))

</pallas_src>

<mosaic_0001>
#map = affine_map<(d0, d1) -> (0)>
#map1 = affine_map<(d0, d1) -> (0, 0)>
module attributes {stable_mosaic.version = 14 : i64} {
  func.func @sc_ncorrect(%arg0: i32, %arg1: i32, %arg2: memref<1024xi32, #tpu.memory_space<hbm>>, %arg3: memref<16384xi32, #tpu.memory_space<hbm>>, %arg4: memref<1024xi32, #tpu.memory_space<hbm>>, %arg5: memref<32x16xi32, #tpu.memory_space<hbm>>, %arg6: memref<32xi32, #tpu.memory_space<vmem>>, %arg7: memref<32xi32, #tpu.memory_space<vmem>>, %arg8: memref<32xi32, #tpu.memory_space<vmem>>, %arg9: memref<16xi32, #tpu.memory_space<vmem>>, %arg10: memref<!tpu.dma_semaphore, #tpu.memory_space<semaphore_mem>>) attributes {dimension_semantics = [#tpu.dimension_semantics<core_parallel>, #tpu.dimension_semantics<subcore_parallel>], iteration_bounds = array<i64: 2, 16>, scalar_prefetch = 0 : i64, scratch_operands = 5 : i64, tpu.core_type = #tpu.core_type<sc_vector_subcore>, window_params = [{transform_indices = #map}, {transform_indices = #map}, {transform_indices = #map}, {transform_indices = #map1}]} {
    %mul3A = arith.constant 2 : i32
    %mul3A_0 = arith.muli %arg1, %mul3A : i32
    %add3A = arith.addi %mul3A_0, %arg0 : i32
    %mul3A_1 = arith.constant 32 : i32
    %mul3A_2 = arith.muli %add3A, %mul3A_1 : i32
    "tpu.region"() ({
      %run_scoped3A = tpu.sem_alloc : memref<!tpu.dma_semaphore, #tpu.memory_space<semaphore_mem>>
      %dma_start3A_33 = tpu.memref_slice %arg2[%mul3A_2] : memref<1024xi32, #tpu.memory_space<hbm>> -> memref<32xi32, #tpu.memory_space<hbm>>
      %dma_start3A_34 = tpu.memref_slice %arg2[%mul3A_2] : memref<1024xi32, #tpu.memory_space<hbm>> -> memref<32xi32, #tpu.memory_space<hbm>>
      tpu.enqueue_dma source(%dma_start3A_34 : memref<32xi32, #tpu.memory_space<hbm>>) target(%arg6 : memref<32xi32, #tpu.memory_space<vmem>>) target_semaphore(%run_scoped3A : memref<!tpu.dma_semaphore, #tpu.memory_space<semaphore_mem>>)
      %dma_wait3A_35 = tpu.memref_slice %arg2[%mul3A_2] : memref<1024xi32, #tpu.memory_space<hbm>> -> memref<32xi32, #tpu.memory_space<hbm>>
      %dma_wait3A_36 = tpu.memref_slice %arg2[%mul3A_2] : memref<1024xi32, #tpu.memory_space<hbm>> -> memref<32xi32, #tpu.memory_space<hbm>>
      tpu.wait_dma2 semaphore(%run_scoped3A : memref<!tpu.dma_semaphore, #tpu.memory_space<semaphore_mem>>) src(%dma_wait3A_36 : memref<32xi32, #tpu.memory_space<hbm>>) dst(%arg6 : memref<32xi32, #tpu.memory_space<vmem>>)
      tpu.yield
    }) : () -> ()
    %mul3A_3 = arith.constant 32 : i32
    %mul3A_4 = arith.muli %add3A, %mul3A_3 : i32
    "tpu.region"() ({
      %run_scoped3A = tpu.sem_alloc : memref<!tpu.dma_semaphore, #tpu.memory_space<semaphore_mem>>
      %dma_start3A_33 = tpu.memref_slice %arg4[%mul3A_4] : memref<1024xi32, #tpu.memory_space<hbm>> -> memref<32xi32, #tpu.memory_space<hbm>>
      %dma_start3A_34 = tpu.memref_slice %arg4[%mul3A_4] : memref<1024xi32, #tpu.memory_space<hbm>> -> memref<32xi32, #tpu.memory_space<hbm>>
      tpu.enqueue_dma source(%dma_start3A_34 : memref<32xi32, #tpu.memory_space<hbm>>) target(%arg8 : memref<32xi32, #tpu.memory_space<vmem>>) target_semaphore(%run_scoped3A : memref<!tpu.dma_semaphore, #tpu.memory_space<semaphore_mem>>)
      %dma_wait3A_35 = tpu.memref_slice %arg4[%mul3A_4] : memref<1024xi32, #tpu.memory_space<hbm>> -> memref<32xi32, #tpu.memory_space<hbm>>
      %dma_wait3A_36 = tpu.memref_slice %arg4[%mul3A_4] : memref<1024xi32, #tpu.memory_space<hbm>> -> memref<32xi32, #tpu.memory_space<hbm>>
      tpu.wait_dma2 semaphore(%run_scoped3A : memref<!tpu.dma_semaphore, #tpu.memory_space<semaphore_mem>>) src(%dma_wait3A_36 : memref<32xi32, #tpu.memory_space<hbm>>) dst(%arg8 : memref<32xi32, #tpu.memory_space<vmem>>)
      tpu.yield
    }) : () -> ()
    %dma_start3A = arith.constant 0 : i32
    %dma_start3A_5 = tpu.memref_slice %arg3[%dma_start3A] : memref<16384xi32, #tpu.memory_space<hbm>> -> memref<16384xi32, #tpu.memory_space<hbm>>
    tpu.enqueue_indirect_dma source(%dma_start3A_5 : memref<16384xi32, #tpu.memory_space<hbm>>) target(%arg7 : memref<32xi32, #tpu.memory_space<vmem>>) offsets(%arg6 : memref<32xi32, #tpu.memory_space<vmem>>) semaphore(%arg10 : memref<!tpu.dma_semaphore, #tpu.memory_space<semaphore_mem>>)
    %dma_wait3A = arith.constant 0 : i32
    %dma_wait3A_6 = tpu.memref_slice %arg3[%dma_wait3A] : memref<16384xi32, #tpu.memory_space<hbm>> -> memref<16384xi32, #tpu.memory_space<hbm>>
    tpu.wait_indirect_dma semaphore(%arg10 : memref<!tpu.dma_semaphore, #tpu.memory_space<semaphore_mem>>) src(%dma_wait3A_6 : memref<16384xi32, #tpu.memory_space<hbm>>) dst(%arg7 : memref<32xi32, #tpu.memory_space<vmem>>)
    %broadcast_in_dim3A = arith.constant 0 : i32
    %broadcast_in_dim3A_7 = vector.broadcast %broadcast_in_dim3A : i32 to vector<16xi32>
    %get3A = arith.constant 0 : index
    %get3A_8 = tpu.vector_load %arg7[%get3A] {strides = array<i32>} : memref<32xi32, #tpu.memory_space<vmem>>, vector<16xi32>,
    %get3A_9 = vector.shape_cast %get3A_8 : vector<16xi32> to vector<16xi32>
    %get3A_10 = arith.constant 0 : index
    %get3A_11 = tpu.vector_load %arg8[%get3A_10] {strides = array<i32>} : memref<32xi32, #tpu.memory_space<vmem>>, vector<16xi32>,
    %get3A_12 = vector.shape_cast %get3A_11 : vector<16xi32> to vector<16xi32>
    %eq3A = arith.cmpi eq, %get3A_9, %get3A_12 : vector<16xi32>
    %jit3A = arith.constant 1 : i32
    %jit3A_13 = arith.constant 0 : i32
    %broadcast_in_dim3A_14 = vector.broadcast %jit3A : i32 to vector<16xi32>
    %broadcast_in_dim3A_15 = vector.broadcast %jit3A_13 : i32 to vector<16xi32>
    %select_n3A = arith.select %eq3A, %broadcast_in_dim3A_14, %broadcast_in_dim3A_15 : vector<16xi1>, vector<16xi32>
    %add3A_16 = arith.addi %broadcast_in_dim3A_7, %select_n3A : vector<16xi32>
    %get3A_17 = arith.constant 16 : index
    %get3A_18 = tpu.vector_load %arg7[%get3A_17] {strides = array<i32>} : memref<32xi32, #tpu.memory_space<vmem>>, vector<16xi32>,
    %get3A_19 = vector.shape_cast %get3A_18 : vector<16xi32> to vector<16xi32>
    %get3A_20 = arith.constant 16 : index
    %get3A_21 = tpu.vector_load %arg8[%get3A_20] {strides = array<i32>} : memref<32xi32, #tpu.memory_space<vmem>>, vector<16xi32>,
    %get3A_22 = vector.shape_cast %get3A_21 : vector<16xi32> to vector<16xi32>
    %eq3A_23 = arith.cmpi eq, %get3A_19, %get3A_22 : vector<16xi32>
    %jit3A_24 = arith.constant 1 : i32
    %jit3A_25 = arith.constant 0 : i32
    %broadcast_in_dim3A_26 = vector.broadcast %jit3A_24 : i32 to vector<16xi32>
    %broadcast_in_dim3A_27 = vector.broadcast %jit3A_25 : i32 to vector<16xi32>
    %select_n3A_28 = arith.select %eq3A_23, %broadcast_in_dim3A_26, %broadcast_in_dim3A_27 : vector<16xi1>, vector<16xi32>
    %add3A_29 = arith.addi %add3A_16, %select_n3A_28 : vector<16xi32>
    %swap3A = arith.constant 0 : index
    %swap3A_30 = tpu.vector_load %arg9[%swap3A] {strides = array<i32>} : memref<16xi32, #tpu.memory_space<vmem>>, vector<16xi32>,
    %swap3A_31 = vector.shape_cast %swap3A_30 : vector<16xi32> to vector<16xi32>
    %swap3A_32 = vector.shape_cast %add3A_29 : vector<16xi32> to vector<16xi32>
    tpu.vector_store %arg9[%swap3A], %swap3A_32 {strides = array<i32>} : memref<16xi32, #tpu.memory_space<vmem>>, vector<16xi32>,
    "tpu.region"() ({
      %run_scoped3A = tpu.sem_alloc : memref<!tpu.dma_semaphore, #tpu.memory_space<semaphore_mem>>
      %dma_start3A_33 = arith.constant 0 : i32
      %dma_start3A_34 = tpu.memref_slice %arg5[%add3A, %dma_start3A_33] : memref<32x16xi32, #tpu.memory_space<hbm>> -> memref<1x16xi32, #tpu.memory_space<hbm>>
      %dma_start3A_35 = tpu.memref_squeeze %dma_start3A_34 : memref<1x16xi32, #tpu.memory_space<hbm>> -> memref<16xi32, #tpu.memory_space<hbm>>
      %dma_start3A_36 = arith.constant 0 : i32
      %dma_start3A_37 = tpu.memref_slice %arg5[%add3A, %dma_start3A_36] : memref<32x16xi32, #tpu.memory_space<hbm>> -> memref<1x16xi32, #tpu.memory_space<hbm>>
      %dma_start3A_38 = tpu.memref_squeeze %dma_start3A_37 : memref<1x16xi32, #tpu.memory_space<hbm>> -> memref<16xi32, #tpu.memory_space<hbm>>
      tpu.enqueue_dma source(%arg9 : memref<16xi32, #tpu.memory_space<vmem>>) target(%dma_start3A_38 : memref<16xi32, #tpu.memory_space<hbm>>) target_semaphore(%run_scoped3A : memref<!tpu.dma_semaphore, #tpu.memory_space<semaphore_mem>>)
      %dma_wait3A_39 = arith.constant 0 : i32
      %dma_wait3A_40 = tpu.memref_slice %arg5[%add3A, %dma_wait3A_39] : memref<32x16xi32, #tpu.memory_space<hbm>> -> memref<1x16xi32, #tpu.memory_space<hbm>>
      %dma_wait3A_41 = tpu.memref_squeeze %dma_wait3A_40 : memref<1x16xi32, #tpu.memory_space<hbm>> -> memref<16xi32, #tpu.memory_space<hbm>>
      %dma_wait3A_42 = arith.constant 0 : i32
      %dma_wait3A_43 = tpu.memref_slice %arg5[%add3A, %dma_wait3A_42] : memref<32x16xi32, #tpu.memory_space<hbm>> -> memref<1x16xi32, #tpu.memory_space<hbm>>
      %dma_wait3A_44 = tpu.memref_squeeze %dma_wait3A_43 : memref<1x16xi32, #tpu.memory_space<hbm>> -> memref<16xi32, #tpu.memory_space<hbm>>
      tpu.wait_dma2 semaphore(%run_scoped3A : memref<!tpu.dma_semaphore, #tpu.memory_space<semaphore_mem>>) src(%arg9 : memref<16xi32, #tpu.memory_space<vmem>>) dst(%dma_wait3A_44 : memref<16xi32, #tpu.memory_space<hbm>>)
      tpu.yield
    }) : () -> ()
    return
  }
}

module attributes {stable_mosaic.version = 14 : i64} {
  func.func @_stats_body(%arg0: memref<1x640xi32, #tpu.memory_space<vmem>>, %arg1: memref<640x1xi32, #tpu.memory_space<vmem>>, %arg2: memref<32x16xi32, #tpu.memory_space<vmem>>, %arg3: memref<1x1xi32, #tpu.memory_space<vmem>>, %arg4: memref<1x1xi32, #tpu.memory_space<vmem>>) attributes {dimension_semantics = [], scalar_prefetch = 0 : i64, scratch_operands = 0 : i64, tpu.core_type = #tpu.core_type<tc>} {
    %get3A = arith.constant 0 : index
    %get3A_0 = arith.constant 0 : index
    %get3A_1 = vector.load %arg0[%get3A, %get3A_0] : memref<1x640xi32, #tpu.memory_space<vmem>>, vector<1x640xi32>
    %get3A_2 = arith.constant 0 : index
    %get3A_3 = arith.constant 0 : index
    %get3A_4 = vector.load %arg1[%get3A_2, %get3A_3] : memref<640x1xi32, #tpu.memory_space<vmem>>, vector<640x1xi32>
    %eq3A = vector.broadcast %get3A_4 : vector<640x1xi32> to vector<640x640xi32>
    %eq3A_5 = vector.broadcast %get3A_1 : vector<1x640xi32> to vector<640x640xi32>
    %eq3A_6 = arith.cmpi eq, %eq3A, %eq3A_5 : vector<640x640xi32>
    %iota3A = tpu.iota {dimensions = array<i32: 0>} : vector<640x640xi32>
    %iota3A_7 = tpu.iota {dimensions = array<i32: 1>} : vector<640x640xi32>
    %lt3A = arith.cmpi slt, %iota3A, %iota3A_7 : vector<640x640xi32>
    %and3A = arith.andi %eq3A_6, %lt3A : vector<640x640xi1>
    %jit3A = arith.constant 1 : i32
    %jit3A_8 = arith.constant 0 : i32
    %broadcast_in_dim3A = vector.broadcast %jit3A : i32 to vector<640x640xi32>
    %broadcast_in_dim3A_9 = vector.broadcast %jit3A_8 : i32 to vector<640x640xi32>
    %select_n3A = arith.select %and3A, %broadcast_in_dim3A, %broadcast_in_dim3A_9 : vector<640x640xi1>, vector<640x640xi32>
    %reduce_sum3A = arith.constant dense<0> : vector<640xi32>
    %reduce_sum3A_10 = vector.multi_reduction <add>, %select_n3A, %reduce_sum3A [0] : vector<640x640xi32> to vector<640xi32>
    %gt3A = arith.constant 0 : i32
    %gt3A_11 = vector.broadcast %gt3A : i32 to vector<640xi32>
    %gt3A_12 = arith.cmpi sgt, %reduce_sum3A_10, %gt3A_11 : vector<640xi32>
    %jit3A_13 = arith.constant 1 : i32
    %jit3A_14 = arith.constant 0 : i32
    %broadcast_in_dim3A_15 = vector.broadcast %jit3A_13 : i32 to vector<640xi32>
    %broadcast_in_dim3A_16 = vector.broadcast %jit3A_14 : i32 to vector<640xi32>
    %select_n3A_17 = arith.select %gt3A_12, %broadcast_in_dim3A_15, %broadcast_in_dim3A_16 : vector<640xi1>, vector<640xi32>
    %reduce_sum3A_18 = vector.shape_cast %select_n3A_17 : vector<640xi32> to vector<1x640xi32>
    %reduce_sum3A_19 = arith.constant dense<0> : vector<1xi32>
    %reduce_sum3A_20 = vector.multi_reduction <add>, %reduce_sum3A_18, %reduce_sum3A_19 [1] : vector<1x640xi32> to vector<1xi32>
    %reduce_sum3A_21 = vector.shape_cast %reduce_sum3A_20 : vector<1xi32> to vector<1x1xi32>
    %reduce_sum3A_22 = vector.extract %reduce_sum3A_21[0, 0] : i32 from vector<1x1xi32>
    %sub3A = arith.constant 640 : i32
    %sub3A_23 = arith.subi %sub3A, %reduce_sum3A_22 : i32
    %reshape3A = vector.broadcast %sub3A_23 : i32 to vector<1x1xi32>
    %swap3A = arith.constant 0 : index
    %swap3A_24 = arith.constant 0 : index
    %swap3A_25 = vector.load %arg3[%swap3A, %swap3A_24] : memref<1x1xi32, #tpu.memory_space<vmem>>, vector<1x1xi32>
    tpu.vector_store %arg3[%swap3A, %swap3A_24], %reshape3A {strides = array<i32>} : memref<1x1xi32, #tpu.memory_space<vmem>>, vector<1x1xi32>,
    %get3A_26 = arith.constant 0 : index
    %get3A_27 = arith.constant 0 : index
    %get3A_28 = vector.load %arg2[%get3A_26, %get3A_27] : memref<32x16xi32, #tpu.memory_space<vmem>>, vector<32x16xi32>
    %reduce_sum3A_29 = vector.shape_cast %get3A_28 : vector<32x16xi32> to vector<1x32x16xi32>
    %reduce_sum3A_30 = arith.constant dense<0> : vector<1xi32>
    %reduce_sum3A_31 = vector.multi_reduction <add>, %reduce_sum3A_29, %reduce_sum3A_30 [1, 2] : vector<1x32x16xi32> to vector<1xi32>
    %reduce_sum3A_32 = vector.shape_cast %reduce_sum3A_31 : vector<1xi32> to vector<1x1x1xi32>
    %reduce_sum3A_33 = vector.extract %reduce_sum3A_32[0, 0, 0] : i32 from vector<1x1x1xi32>
    %reshape3A_34 = vector.broadcast %reduce_sum3A_33 : i32 to vector<1x1xi32>
    %swap3A_35 = arith.constant 0 : index
    %swap3A_36 = arith.constant 0 : index
    %swap3A_37 = vector.load %arg4[%swap3A_35, %swap3A_36] : memref<1x1xi32, #tpu.memory_space<vmem>>, vector<1x1xi32>
    tpu.vector_store %arg4[%swap3A_35, %swap3A_36], %reshape3A_34 {strides = array<i32>} : memref<1x1xi32, #tpu.memory_space<vmem>>, vector<1x1xi32>,
    return
  }
}

module attributes {stable_mosaic.version = 14 : i64} {
  func.func @_select_body(%arg0: i32, %arg1: memref<1024x1024xf32, #tpu.memory_space<vmem>>, %arg2: memref<1024x64xf32, #tpu.memory_space<vmem>>, %arg3: memref<1x64xf32, #tpu.memory_space<vmem>>, %arg4: memref<1x1xf32, #tpu.memory_space<vmem>>, %arg5: memref<16x64xi32, #tpu.memory_space<vmem>>, %arg6: memref<16x64xf32, #tpu.memory_space<vmem>>, %arg7: memref<16x64xi32, #tpu.memory_space<vmem>>, %arg8: memref<512x128xf32, #tpu.memory_space<vmem>>) attributes {dimension_semantics = [#tpu.dimension_semantics<arbitrary>], iteration_bounds = array<i64: 16>, scalar_prefetch = 0 : i64, scratch_operands = 3 : i64, tpu.core_type = #tpu.core_type<tc>, window_params = [{transform_indices = @transform_0, window_bounds = array<i64: 1024, 1024>}, {pipeline_mode = #tpu.pipeline_mode<synchronous>, transform_indices = @transform_1, window_bounds = array<i64: 1024, 64>}, {pipeline_mode = #tpu.pipeline_mode<synchronous>, transform_indices = @transform_2, window_bounds = array<i64: 1, 64>}, {pipeline_mode = #tpu.pipeline_mode<synchronous>, transform_indices = @transform_3, window_bounds = array<i64: 1, 1>}, {pipeline_mode = #tpu.pipeline_mode<synchronous>, transform_indices = @transform_4, window_bounds = array<i64: 16, 64>}]} {
    %eq3A = arith.constant 0 : i32
    %eq3A_0 = arith.cmpi eq, %arg0, %eq3A : i32
    %convert_element_type3A = arith.extui %eq3A_0 : i1 to i32
    %cond3A = arith.constant 0 : i32
    %cond3A_1 = arith.cmpi ne, %convert_element_type3A, %cond3A : i32
    scf.if %cond3A_1 {
      %broadcast_in_dim3A_94 = arith.constant -1.000000e+00 : f32
      %broadcast_in_dim3A_95 = vector.broadcast %broadcast_in_dim3A_94 : f32 to vector<16x64xf32>
      %swap3A_96 = arith.constant 0 : index
      %swap3A_97 = arith.constant 0 : index
      %swap3A_98 = vector.load %arg6[%swap3A_96, %swap3A_97] : memref<16x64xf32, #tpu.memory_space<vmem>>, vector<16x64xf32>
      tpu.vector_store %arg6[%swap3A_96, %swap3A_97], %broadcast_in_dim3A_95 {strides = array<i32>} : memref<16x64xf32, #tpu.memory_space<vmem>>, vector<16x64xf32>,
      %broadcast_in_dim3A_99 = arith.constant 0 : i32
      %broadcast_in_dim3A_100 = vector.broadcast %broadcast_in_dim3A_99 : i32 to vector<16x64xi32>
      %swap3A_101 = arith.constant 0 : index
      %swap3A_102 = arith.constant 0 : index
      %swap3A_103 = vector.load %arg7[%swap3A_101, %swap3A_102] : memref<16x64xi32, #tpu.memory_space<vmem>>, vector<16x64xi32>
      tpu.vector_store %arg7[%swap3A_101, %swap3A_102], %broadcast_in_dim3A_100 {strides = array<i32>} : memref<16x64xi32, #tpu.memory_space<vmem>>, vector<16x64xi32>,
    } else {
    }
    %get3A = arith.constant 0 : index
    %get3A_2 = arith.constant 0 : index
    %get3A_3 = vector.load %arg1[%get3A, %get3A_2] : memref<1024x1024xf32, #tpu.memory_space<vmem>>, vector<1024x1024xf32>
    %get3A_4 = arith.constant 0 : index
    %get3A_5 = arith.constant 0 : index
    %get3A_6 = vector.load %arg2[%get3A_4, %get3A_5] : memref<1024x64xf32, #tpu.memory_space<vmem>>, vector<1024x64xf32>
    %dot_general3A = arith.constant dense<0.000000e+00> : vector<1024x64xf32>
    %dot_general3A_7 = tpu.matmul %get3A_3, %get3A_6, %dot_general3A {dimension_numbers = #tpu.dot_dimension_numbers<[1], [0], [0], [1], [0, 0, 1, 1], [], []>, transpose_lhs_hint = false} : vector<1024x1024xf32>, vector<1024x64xf32>, vector<1024x64xf32> -> vector<1024x64xf32>
    %get3A_8 = arith.constant 0 : index
    %get3A_9 = arith.constant 0 : index
    %get3A_10 = vector.load %arg3[%get3A_8, %get3A_9] : memref<1x64xf32, #tpu.memory_space<vmem>>, vector<1x64xf32>
    %add3A = vector.broadcast %get3A_10 : vector<1x64xf32> to vector<1024x64xf32>
    %add3A_11 = arith.addf %dot_general3A_7, %add3A : vector<1024x64xf32>
    %reduce_max3A = arith.constant dense<0xFF800000> : vector<1024xf32>
    %reduce_max3A_12 = vector.multi_reduction <maximumf>, %add3A_11, %reduce_max3A [1] : vector<1024x64xf32> to vector<1024xf32>
    %broadcast_in_dim3A = vector.shape_cast %reduce_max3A_12 : vector<1024xf32> to vector<1024x1xf32>
    %sub3A = vector.broadcast %broadcast_in_dim3A : vector<1024x1xf32> to vector<1024x64xf32>
    %sub3A_13 = arith.subf %add3A_11, %sub3A : vector<1024x64xf32>
    %exp3A = math.exp %sub3A_13 : vector<1024x64xf32>
    %reduce_sum3A = arith.constant dense<0.000000e+00> : vector<1024xf32>
    %reduce_sum3A_14 = vector.multi_reduction <add>, %exp3A, %reduce_sum3A [1] : vector<1024x64xf32> to vector<1024xf32>
    %broadcast_in_dim3A_15 = vector.shape_cast %reduce_sum3A_14 : vector<1024xf32> to vector<1024x1xf32>
    %div3A = vector.broadcast %broadcast_in_dim3A_15 : vector<1024x1xf32> to vector<1024x64xf32>
    %div3A_16 = arith.divf %exp3A, %div3A : vector<1024x64xf32>
    %slice3A = vector.extract_strided_slice %div3A_16 {offsets = [0, 0], sizes = [512, 64], strides = [1, 1]} : vector<1024x64xf32> to vector<512x64xf32>
    %slice3A_17 = vector.extract_strided_slice %div3A_16 {offsets = [512, 0], sizes = [512, 64], strides = [1, 1]} : vector<1024x64xf32> to vector<512x64xf32>
    %concatenate3A = tpu.concatenate %slice3A, %slice3A_17 in 1 : vector<512x64xf32>, vector<512x64xf32> -> vector<512x128xf32>
    %swap3A = arith.constant 0 : index
    %swap3A_18 = arith.constant 0 : index
    %swap3A_19 = vector.load %arg8[%swap3A, %swap3A_18] : memref<512x128xf32, #tpu.memory_space<vmem>>, vector<512x128xf32>
    tpu.vector_store %arg8[%swap3A, %swap3A_18], %concatenate3A {strides = array<i32>} : memref<512x128xf32, #tpu.memory_space<vmem>>, vector<512x128xf32>,
    %get3A_20 = arith.constant 9 : index
    %get3A_21 = arith.constant 0 : index
    %get3A_22 = vector.load %arg6[%get3A_20, %get3A_21] : memref<16x64xf32, #tpu.memory_space<vmem>>, vector<1x64xf32>
    %concatenate3A_23 = tpu.concatenate %get3A_22, %get3A_22 in 1 : vector<1x64xf32>, vector<1x64xf32> -> vector<1x128xf32>
    %gt3A = vector.broadcast %concatenate3A_23 : vector<1x128xf32> to vector<512x128xf32>
    %gt3A_24 = arith.cmpf ogt, %concatenate3A, %gt3A : vector<512x128xf32>
    %convert_element_type3A_25 = arith.extui %gt3A_24 : vector<512x128xi1> to vector<512x128xi32>
    %reduce_sum3A_26 = arith.constant dense<0> : vector<128xi32>
    %reduce_sum3A_27 = vector.multi_reduction <add>, %convert_element_type3A_25, %reduce_sum3A_26 [0] : vector<512x128xi32> to vector<128xi32>
    %broadcast_in_dim3A_28 = vector.shape_cast %reduce_sum3A_27 : vector<128xi32> to vector<1x128xi32>
    %min3A = arith.constant 10 : i32
    %min3A_29 = vector.broadcast %min3A : i32 to vector<1x128xi32>
    %min3A_30 = arith.minsi %broadcast_in_dim3A_28, %min3A_29 : vector<1x128xi32>
    %reduce_max3A_31 = vector.shape_cast %min3A_30 : vector<1x128xi32> to vector<1x1x128xi32>
    %reduce_max3A_32 = arith.constant dense<-2147483648> : vector<1xi32>
    %reduce_max3A_33 = vector.multi_reduction <maxsi>, %reduce_max3A_31, %reduce_max3A_32 [1, 2] : vector<1x1x128xi32> to vector<1xi32>
    %reduce_max3A_34 = vector.shape_cast %reduce_max3A_33 : vector<1xi32> to vector<1x1x1xi32>
    %reduce_max3A_35 = vector.extract %reduce_max3A_34[0, 0, 0] : i32 from vector<1x1x1xi32>
    %iota3A = tpu.iota {dimensions = array<i32: 0>} : vector<512x128xi32>
    %iota3A_36 = tpu.iota {dimensions = array<i32: 0>} : vector<16x64xi32>
    %lt3A = arith.constant 10 : i32
    %lt3A_37 = vector.broadcast %lt3A : i32 to vector<16x64xi32>
    %lt3A_38 = arith.cmpi slt, %iota3A_36, %lt3A_37 : vector<16x64xi32>
    %gt3A_39 = arith.constant 0 : i32
    %gt3A_40 = arith.cmpi sgt, %reduce_max3A_35, %gt3A_39 : i32
    %convert_element_type3A_41 = arith.extui %gt3A_40 : i1 to i32
    %cond3A_42 = arith.constant 0 : i32
    %cond3A_43 = arith.cmpi ne, %convert_element_type3A_41, %cond3A_42 : i32
    scf.if %cond3A_43 {
      %get3A_94 = arith.constant 0 : index
      %get3A_95 = arith.constant 0 : index
      %get3A_96 = vector.load %arg8[%get3A_94, %get3A_95] : memref<512x128xf32, #tpu.memory_space<vmem>>, vector<512x128xf32>
      %reduce_max3A_97 = arith.constant dense<0xFF800000> : vector<128xf32>
      %reduce_max3A_98 = vector.multi_reduction <maximumf>, %get3A_96, %reduce_max3A_97 [0] : vector<512x128xf32> to vector<128xf32>
      %broadcast_in_dim3A_99 = vector.shape_cast %reduce_max3A_98 : vector<128xf32> to vector<1x128xf32>
      %eq3A_100 = vector.broadcast %broadcast_in_dim3A_99 : vector<1x128xf32> to vector<512x128xf32>
      %eq3A_101 = arith.cmpf oeq, %get3A_96, %eq3A_100 : vector<512x128xf32>
      %jit3A = arith.constant 512 : i32
      %broadcast_in_dim3A_102 = vector.broadcast %jit3A : i32 to vector<512x128xi32>
      %select_n3A = arith.select %eq3A_101, %iota3A, %broadcast_in_dim3A_102 : vector<512x128xi1>, vector<512x128xi32>
      %reduce_min3A = arith.constant dense<2147483647> : vector<128xi32>
      %reduce_min3A_103 = vector.multi_reduction <minsi>, %select_n3A, %reduce_min3A [0] : vector<512x128xi32> to vector<128xi32>
      %broadcast_in_dim3A_104 = vector.shape_cast %reduce_min3A_103 : vector<128xi32> to vector<1x128xi32>
      %eq3A_105 = vector.broadcast %broadcast_in_dim3A_104 : vector<1x128xi32> to vector<512x128xi32>
      %eq3A_106 = arith.cmpi eq, %iota3A, %eq3A_105 : vector<512x128xi32>
      %jit3A_107 = arith.constant -1.000000e+00 : f32
      %broadcast_in_dim3A_108 = vector.broadcast %jit3A_107 : f32 to vector<512x128xf32>
      %select_n3A_109 = arith.select %eq3A_106, %broadcast_in_dim3A_108, %get3A_96 : vector<512x128xi1>, vector<512x128xf32>
      %swap3A_110 = arith.constant 0 : index
      %swap3A_111 = arith.constant 0 : index
      %swap3A_112 = vector.load %arg8[%swap3A_110, %swap3A_111] : memref<512x128xf32, #tpu.memory_space<vmem>>, vector<512x128xf32>
      tpu.vector_store %arg8[%swap3A_110, %swap3A_111], %select_n3A_109 {strides = array<i32>} : memref<512x128xf32, #tpu.memory_space<vmem>>, vector<512x128xf32>,
      %mul3A = arith.constant 1024 : i32
      %mul3A_113 = arith.muli %arg0, %mul3A : i32
      %add3A_114 = vector.broadcast %mul3A_113 : i32 to vector<1x128xi32>
      %add3A_115 = arith.addi %add3A_114, %broadcast_in_dim3A_104 : vector<1x128xi32>
      %slice3A_116 = vector.extract_strided_slice %broadcast_in_dim3A_99 {offsets = [0, 0], sizes = [1, 64], strides = [1, 1]} : vector<1x128xf32> to vector<1x64xf32>
      %slice3A_117 = vector.extract_strided_slice %add3A_115 {offsets = [0, 0], sizes = [1, 64], strides = [1, 1]} : vector<1x128xi32> to vector<1x64xi32>
      %add3A_118 = arith.constant 0 : i32
      %add3A_119 = vector.broadcast %add3A_118 : i32 to vector<1x64xi32>
      %add3A_120 = arith.addi %slice3A_117, %add3A_119 : vector<1x64xi32>
      %get3A_121 = arith.constant 0 : index
      %get3A_122 = arith.constant 0 : index
      %get3A_123 = vector.load %arg6[%get3A_121, %get3A_122] : memref<16x64xf32, #tpu.memory_space<vmem>>, vector<16x64xf32>
      %get3A_124 = arith.constant 0 : index
      %get3A_125 = arith.constant 0 : index
      %get3A_126 = vector.load %arg7[%get3A_124, %get3A_125] : memref<16x64xi32, #tpu.memory_space<vmem>>, vector<16x64xi32>
      %gt3A_127 = vector.broadcast %slice3A_116 : vector<1x64xf32> to vector<16x64xf32>
      %gt3A_128 = arith.cmpf ogt, %get3A_123, %gt3A_127 : vector<16x64xf32>
      %eq3A_129 = vector.broadcast %slice3A_116 : vector<1x64xf32> to vector<16x64xf32>
      %eq3A_130 = arith.cmpf oeq, %get3A_123, %eq3A_129 : vector<16x64xf32>
      %lt3A_131 = vector.broadcast %add3A_120 : vector<1x64xi32> to vector<16x64xi32>
      %lt3A_132 = arith.cmpi slt, %get3A_126, %lt3A_131 : vector<16x64xi32>
      %and3A = arith.andi %eq3A_130, %lt3A_132 : vector<16x64xi1>
      %or3A = arith.ori %gt3A_128, %and3A : vector<16x64xi1>
      %and3A_133 = arith.andi %or3A, %lt3A_38 : vector<16x64xi1>
      %convert_element_type3A_134 = arith.extui %and3A_133 : vector<16x64xi1> to vector<16x64xi32>
      %reduce_sum3A_135 = arith.constant dense<0> : vector<64xi32>
      %reduce_sum3A_136 = vector.multi_reduction <add>, %convert_element_type3A_134, %reduce_sum3A_135 [0] : vector<16x64xi32> to vector<64xi32>
      %broadcast_in_dim3A_137 = vector.shape_cast %reduce_sum3A_136 : vector<64xi32> to vector<1x64xi32>
      %slice3A_138 = vector.extract_strided_slice %get3A_123 {offsets = [0, 0], sizes = [1, 64], strides = [1, 1]} : vector<16x64xf32> to vector<1x64xf32>
      %slice3A_139 = vector.extract_strided_slice %get3A_123 {offsets = [0, 0], sizes = [15, 64], strides = [1, 1]} : vector<16x64xf32> to vector<15x64xf32>
      %concatenate3A_140 = tpu.concatenate %slice3A_138, %slice3A_139 in 0 : vector<1x64xf32>, vector<15x64xf32> -> vector<16x64xf32>
      %slice3A_141 = vector.extract_strided_slice %get3A_126 {offsets = [0, 0], sizes = [1, 64], strides = [1, 1]} : vector<16x64xi32> to vector<1x64xi32>
      %slice3A_142 = vector.extract_strided_slice %get3A_126 {offsets = [0, 0], sizes = [15, 64], strides = [1, 1]} : vector<16x64xi32> to vector<15x64xi32>
      %concatenate3A_143 = tpu.concatenate %slice3A_141, %slice3A_142 in 0 : vector<1x64xi32>, vector<15x64xi32> -> vector<16x64xi32>
      %lt3A_144 = vector.broadcast %broadcast_in_dim3A_137 : vector<1x64xi32> to vector<16x64xi32>
      %lt3A_145 = arith.cmpi slt, %iota3A_36, %lt3A_144 : vector<16x64xi32>
      %eq3A_146 = vector.broadcast %broadcast_in_dim3A_137 : vector<1x64xi32> to vector<16x64xi32>
      %eq3A_147 = arith.cmpi eq, %iota3A_36, %eq3A_146 : vector<16x64xi32>
      %broadcast_in_dim3A_148 = vector.shape_cast %slice3A_116 : vector<1x64xf32> to vector<1x64xf32>
      %broadcast_in_dim3A_149 = vector.broadcast %broadcast_in_dim3A_148 : vector<1x64xf32> to vector<16x64xf32>
      %select_n3A_150 = arith.select %eq3A_147, %broadcast_in_dim3A_149, %concatenate3A_140 : vector<16x64xi1>, vector<16x64xf32>
      %select_n3A_151 = arith.select %lt3A_145, %get3A_123, %select_n3A_150 : vector<16x64xi1>, vector<16x64xf32>
      %lt3A_152 = vector.broadcast %broadcast_in_dim3A_137 : vector<1x64xi32> to vector<16x64xi32>
      %lt3A_153 = arith.cmpi slt, %iota3A_36, %lt3A_152 : vector<16x64xi32>
      %eq3A_154 = vector.broadcast %broadcast_in_dim3A_137 : vector<1x64xi32> to vector<16x64xi32>
      %eq3A_155 = arith.cmpi eq, %iota3A_36, %eq3A_154 : vector<16x64xi32>
      %broadcast_in_dim3A_156 = vector.shape_cast %add3A_120 : vector<1x64xi32> to vector<1x64xi32>
      %broadcast_in_dim3A_157 = vector.broadcast %broadcast_in_dim3A_156 : vector<1x64xi32> to vector<16x64xi32>
      %select_n3A_158 = arith.select %eq3A_155, %broadcast_in_dim3A_157, %concatenate3A_143 : vector<16x64xi1>, vector<16x64xi32>
      %select_n3A_159 = arith.select %lt3A_153, %get3A_126, %select_n3A_158 : vector<16x64xi1>, vector<16x64xi32>
      %jit3A_160 = arith.constant -1.000000e+00 : f32
      %broadcast_in_dim3A_161 = vector.broadcast %jit3A_160 : f32 to vector<16x64xf32>
      %select_n3A_162 = arith.select %lt3A_38, %select_n3A_151, %broadcast_in_dim3A_161 : vector<16x64xi1>, vector<16x64xf32>
      %swap3A_163 = arith.constant 0 : index
      %swap3A_164 = arith.constant 0 : index
      %swap3A_165 = vector.load %arg6[%swap3A_163, %swap3A_164] : memref<16x64xf32, #tpu.memory_space<vmem>>, vector<16x64xf32>
      tpu.vector_store %arg6[%swap3A_163, %swap3A_164], %select_n3A_162 {strides = array<i32>} : memref<16x64xf32, #tpu.memory_space<vmem>>, vector<16x64xf32>,
      %jit3A_166 = arith.constant 0 : i32
      %broadcast_in_dim3A_167 = vector.broadcast %jit3A_166 : i32 to vector<16x64xi32>
      %select_n3A_168 = arith.select %lt3A_38, %select_n3A_159, %broadcast_in_dim3A_167 : vector<16x64xi1>, vector<16x64xi32>
      %swap3A_169 = arith.constant 0 : index
      %swap3A_170 = arith.constant 0 : index
      %swap3A_171 = vector.load %arg7[%swap3A_169, %swap3A_170] : memref<16x64xi32, #tpu.memory_space<vmem>>, vector<16x64xi32>
      tpu.vector_store %arg7[%swap3A_169, %swap3A_170], %select_n3A_168 {strides = array<i32>} : memref<16x64xi32, #tpu.memory_space<vmem>>, vector<16x64xi32>,
      %slice3A_172 = vector.extract_strided_slice %broadcast_in_dim3A_99 {offsets = [0, 64], sizes = [1, 64], strides = [1, 1]} : vector<1x128xf32> to vector<1x64xf32>
      %slice3A_173 = vector.extract_strided_slice %add3A_115 {offsets = [0, 64], sizes = [1, 64], strides = [1, 1]} : vector<1x128xi32> to vector<1x64xi32>
      %add3A_174 = arith.constant 512 : i32
      %add3A_175 = vector.broadcast %add3A_174 : i32 to vector<1x64xi32>
      %add3A_176 = arith.addi %slice3A_173, %add3A_175 : vector<1x64xi32>
      %get3A_177 = arith.constant 0 : index
      %get3A_178 = arith.constant 0 : index
      %get3A_179 = vector.load %arg6[%get3A_177, %get3A_178] : memref<16x64xf32, #tpu.memory_space<vmem>>, vector<16x64xf32>
      %get3A_180 = arith.constant 0 : index
      %get3A_181 = arith.constant 0 : index
      %get3A_182 = vector.load %arg7[%get3A_180, %get3A_181] : memref<16x64xi32, #tpu.memory_space<vmem>>, vector<16x64xi32>
      %gt3A_183 = vector.broadcast %slice3A_172 : vector<1x64xf32> to vector<16x64xf32>
      %gt3A_184 = arith.cmpf ogt, %get3A_179, %gt3A_183 : vector<16x64xf32>
      %eq3A_185 = vector.broadcast %slice3A_172 : vector<1x64xf32> to vector<16x64xf32>
      %eq3A_186 = arith.cmpf oeq, %get3A_179, %eq3A_185 : vector<16x64xf32>
      %lt3A_187 = vector.broadcast %add3A_176 : vector<1x64xi32> to vector<16x64xi32>
      %lt3A_188 = arith.cmpi slt, %get3A_182, %lt3A_187 : vector<16x64xi32>
      %and3A_189 = arith.andi %eq3A_186, %lt3A_188 : vector<16x64xi1>
      %or3A_190 = arith.ori %gt3A_184, %and3A_189 : vector<16x64xi1>
      %and3A_191 = arith.andi %or3A_190, %lt3A_38 : vector<16x64xi1>
      %convert_element_type3A_192 = arith.extui %and3A_191 : vector<16x64xi1> to vector<16x64xi32>
      %reduce_sum3A_193 = arith.constant dense<0> : vector<64xi32>
      %reduce_sum3A_194 = vector.multi_reduction <add>, %convert_element_type3A_192, %reduce_sum3A_193 [0] : vector<16x64xi32> to vector<64xi32>
      %broadcast_in_dim3A_195 = vector.shape_cast %reduce_sum3A_194 : vector<64xi32> to vector<1x64xi32>
      %slice3A_196 = vector.extract_strided_slice %get3A_179 {offsets = [0, 0], sizes = [1, 64], strides = [1, 1]} : vector<16x64xf32> to vector<1x64xf32>
      %slice3A_197 = vector.extract_strided_slice %get3A_179 {offsets = [0, 0], sizes = [15, 64], strides = [1, 1]} : vector<16x64xf32> to vector<15x64xf32>
      %concatenate3A_198 = tpu.concatenate %slice3A_196, %slice3A_197 in 0 : vector<1x64xf32>, vector<15x64xf32> -> vector<16x64xf32>
      %slice3A_199 = vector.extract_strided_slice %get3A_182 {offsets = [0, 0], sizes = [1, 64], strides = [1, 1]} : vector<16x64xi32> to vector<1x64xi32>
      %slice3A_200 = vector.extract_strided_slice %get3A_182 {offsets = [0, 0], sizes = [15, 64], strides = [1, 1]} : vector<16x64xi32> to vector<15x64xi32>
      %concatenate3A_201 = tpu.concatenate %slice3A_199, %slice3A_200 in 0 : vector<1x64xi32>, vector<15x64xi32> -> vector<16x64xi32>
      %lt3A_202 = vector.broadcast %broadcast_in_dim3A_195 : vector<1x64xi32> to vector<16x64xi32>
      %lt3A_203 = arith.cmpi slt, %iota3A_36, %lt3A_202 : vector<16x64xi32>
      %eq3A_204 = vector.broadcast %broadcast_in_dim3A_195 : vector<1x64xi32> to vector<16x64xi32>
      %eq3A_205 = arith.cmpi eq, %iota3A_36, %eq3A_204 : vector<16x64xi32>
      %broadcast_in_dim3A_206 = vector.shape_cast %slice3A_172 : vector<1x64xf32> to vector<1x64xf32>
      %broadcast_in_dim3A_207 = vector.broadcast %broadcast_in_dim3A_206 : vector<1x64xf32> to vector<16x64xf32>
      %select_n3A_208 = arith.select %eq3A_205, %broadcast_in_dim3A_207, %concatenate3A_198 : vector<16x64xi1>, vector<16x64xf32>
      %select_n3A_209 = arith.select %lt3A_203, %get3A_179, %select_n3A_208 : vector<16x64xi1>, vector<16x64xf32>
      %lt3A_210 = vector.broadcast %broadcast_in_dim3A_195 : vector<1x64xi32> to vector<16x64xi32>
      %lt3A_211 = arith.cmpi slt, %iota3A_36, %lt3A_210 : vector<16x64xi32>
      %eq3A_212 = vector.broadcast %broadcast_in_dim3A_195 : vector<1x64xi32> to vector<16x64xi32>
      %eq3A_213 = arith.cmpi eq, %iota3A_36, %eq3A_212 : vector<16x64xi32>
      %broadcast_in_dim3A_214 = vector.shape_cast %add3A_176 : vector<1x64xi32> to vector<1x64xi32>
      %broadcast_in_dim3A_215 = vector.broadcast %broadcast_in_dim3A_214 : vector<1x64xi32> to vector<16x64xi32>
      %select_n3A_216 = arith.select %eq3A_213, %broadcast_in_dim3A_215, %concatenate3A_201 : vector<16x64xi1>, vector<16x64xi32>
      %select_n3A_217 = arith.select %lt3A_211, %get3A_182, %select_n3A_216 : vector<16x64xi1>, vector<16x64xi32>
      %jit3A_218 = arith.constant -1.000000e+00 : f32
      %broadcast_in_dim3A_219 = vector.broadcast %jit3A_218 : f32 to vector<16x64xf32>
      %select_n3A_220 = arith.select %lt3A_38, %select_n3A_209, %broadcast_in_dim3A_219 : vector<16x64xi1>, vector<16x64xf32>
      %swap3A_221 = arith.constant 0 : index
      %swap3A_222 = arith.constant 0 : index
      %swap3A_223 = vector.load %arg6[%swap3A_221, %swap3A_222] : memref<16x64xf32, #tpu.memory_space<vmem>>, vector<16x64xf32>
      tpu.vector_store %arg6[%swap3A_221, %swap3A_222], %select_n3A_220 {strides = array<i32>} : memref<16x64xf32, #tpu.memory_space<vmem>>, vector<16x64xf32>,
      %jit3A_224 = arith.constant 0 : i32
      %broadcast_in_dim3A_225 = vector.broadcast %jit3A_224 : i32 to vector<16x64xi32>
      %select_n3A_226 = arith.select %lt3A_38, %select_n3A_217, %broadcast_in_dim3A_225 : vector<16x64xi1>, vector<16x64xi32>
      %swap3A_227 = arith.constant 0 : index
      %swap3A_228 = arith.constant 0 : index
      %swap3A_229 = vector.load %arg7[%swap3A_227, %swap3A_228] : memref<16x64xi32, #tpu.memory_space<vmem>>, vector<16x64xi32>
      tpu.vector_store %arg7[%swap3A_227, %swap3A_228], %select_n3A_226 {strides = array<i32>} : memref<16x64xi32, #tpu.memory_space<vmem>>, vector<16x64xi32>,
    } else {
    }
    %gt3A_44 = arith.constant 1 : i32
    %gt3A_45 = arith.cmpi sgt, %reduce_max3A_35, %gt3A_44 : i32
    %convert_element_type3A_46 = arith.extui %gt3A_45 : i1 to i32
    %cond3A_47 = arith.constant 0 : i32
    %cond3A_48 = arith.cmpi ne, %convert_element_type3A_46, %cond3A_47 : i32
    scf.if %cond3A_48 {
      %get3A_94 = arith.constant 0 : index
      %get3A_95 = arith.constant 0 : index
      %get3A_96 = vector.load %arg8[%get3A_94, %get3A_95] : memref<512x128xf32, #tpu.memory_space<vmem>>, vector<512x128xf32>
      %reduce_max3A_97 = arith.constant dense<0xFF800000> : vector<128xf32>
      %reduce_max3A_98 = vector.multi_reduction <maximumf>, %get3A_96, %reduce_max3A_97 [0] : vector<512x128xf32> to vector<128xf32>
      %broadcast_in_dim3A_99 = vector.shape_cast %reduce_max3A_98 : vector<128xf32> to vector<1x128xf32>
      %eq3A_100 = vector.broadcast %broadcast_in_dim3A_99 : vector<1x128xf32> to vector<512x128xf32>
      %eq3A_101 = arith.cmpf oeq, %get3A_96, %eq3A_100 : vector<512x128xf32>
      %jit3A = arith.constant 512 : i32
      %broadcast_in_dim3A_102 = vector.broadcast %jit3A : i32 to vector<512x128xi32>
      %select_n3A = arith.select %eq3A_101, %iota3A, %broadcast_in_dim3A_102 : vector<512x128xi1>, vector<512x128xi32>
      %reduce_min3A = arith.constant dense<2147483647> : vector<128xi32>
      %reduce_min3A_103 = vector.multi_reduction <minsi>, %select_n3A, %reduce_min3A [0] : vector<512x128xi32> to vector<128xi32>
      %broadcast_in_dim3A_104 = vector.shape_cast %reduce_min3A_103 : vector<128xi32> to vector<1x128xi32>
      %eq3A_105 = vector.broadcast %broadcast_in_dim3A_104 : vector<1x128xi32> to vector<512x128xi32>
      %eq3A_106 = arith.cmpi eq, %iota3A, %eq3A_105 : vector<512x128xi32>
      %jit3A_107 = arith.constant -1.000000e+00 : f32
      %broadcast_in_dim3A_108 = vector.broadcast %jit3A_107 : f32 to vector<512x128xf32>
      %select_n3A_109 = arith.select %eq3A_106, %broadcast_in_dim3A_108, %get3A_96 : vector<512x128xi1>, vector<512x128xf32>
      %swap3A_110 = arith.constant 0 : index
      %swap3A_111 = arith.constant 0 : index
      %swap3A_112 = vector.load %arg8[%swap3A_110, %swap3A_111] : memref<512x128xf32, #tpu.memory_space<vmem>>, vector<512x128xf32>
      tpu.vector_store %arg8[%swap3A_110, %swap3A_111], %select_n3A_109 {strides = array<i32>} : memref<512x128xf32, #tpu.memory_space<vmem>>, vector<512x128xf32>,
      %mul3A = arith.constant 1024 : i32
      %mul3A_113 = arith.muli %arg0, %mul3A : i32
      %add3A_114 = vector.broadcast %mul3A_113 : i32 to vector<1x128xi32>
      %add3A_115 = arith.addi %add3A_114, %broadcast_in_dim3A_104 : vector<1x128xi32>
      %slice3A_116 = vector.extract_strided_slice %broadcast_in_dim3A_99 {offsets = [0, 0], sizes = [1, 64], strides = [1, 1]} : vector<1x128xf32> to vector<1x64xf32>
      %slice3A_117 = vector.extract_strided_slice %add3A_115 {offsets = [0, 0], sizes = [1, 64], strides = [1, 1]} : vector<1x128xi32> to vector<1x64xi32>
      %add3A_118 = arith.constant 0 : i32
      %add3A_119 = vector.broadcast %add3A_118 : i32 to vector<1x64xi32>
      %add3A_120 = arith.addi %slice3A_117, %add3A_119 : vector<1x64xi32>
      %get3A_121 = arith.constant 0 : index
      %get3A_122 = arith.constant 0 : index
      %get3A_123 = vector.load %arg6[%get3A_121, %get3A_122] : memref<16x64xf32, #tpu.memory_space<vmem>>, vector<16x64xf32>
      %get3A_124 = arith.constant 0 : index
      %get3A_125 = arith.constant 0 : index
      %get3A_126 = vector.load %arg7[%get3A_124, %get3A_125] : memref<16x64xi32, #tpu.memory_space<vmem>>, vector<16x64xi32>
      %gt3A_127 = vector.broadcast %slice3A_116 : vector<1x64xf32> to vector<16x64xf32>
      %gt3A_128 = arith.cmpf ogt, %get3A_123, %gt3A_127 : vector<16x64xf32>
      %eq3A_129 = vector.broadcast %slice3A_116 : vector<1x64xf32> to vector<16x64xf32>
      %eq3A_130 = arith.cmpf oeq, %get3A_123, %eq3A_129 : vector<16x64xf32>
      %lt3A_131 = vector.broadcast %add3A_120 : vector<1x64xi32> to vector<16x64xi32>
      %lt3A_132 = arith.cmpi slt, %get3A_126, %lt3A_131 : vector<16x64xi32>
      %and3A = arith.andi %eq3A_130, %lt3A_132 : vector<16x64xi1>
      %or3A = arith.ori %gt3A_128, %and3A : vector<16x64xi1>
      %and3A_133 = arith.andi %or3A, %lt3A_38 : vector<16x64xi1>
      %convert_element_type3A_134 = arith.extui %and3A_133 : vector<16x64xi1> to vector<16x64xi32>
      %reduce_sum3A_135 = arith.constant dense<0> : vector<64xi32>
      %reduce_sum3A_136 = vector.multi_reduction <add>, %convert_element_type3A_134, %reduce_sum3A_135 [0] : vector<16x64xi32> to vector<64xi32>
      %broadcast_in_dim3A_137 = vector.shape_cast %reduce_sum3A_136 : vector<64xi32> to vector<1x64xi32>
      %slice3A_138 = vector.extract_strided_slice %get3A_123 {offsets = [0, 0], sizes = [1, 64], strides = [1, 1]} : vector<16x64xf32> to vector<1x64xf32>
      %slice3A_139 = vector.extract_strided_slice %get3A_123 {offsets = [0, 0], sizes = [15, 64], strides = [1, 1]} : vector<16x64xf32> to vector<15x64xf32>
      %concatenate3A_140 = tpu.concatenate %slice3A_138, %slice3A_139 in 0 : vector<1x64xf32>, vector<15x64xf32> -> vector<16x64xf32>
      %slice3A_141 = vector.extract_strided_slice %get3A_126 {offsets = [0, 0], sizes = [1, 64], strides = [1, 1]} : vector<16x64xi32> to vector<1x64xi32>
      %slice3A_142 = vector.extract_strided_slice %get3A_126 {offsets = [0, 0], sizes = [15, 64], strides = [1, 1]} : vector<16x64xi32> to vector<15x64xi32>
      %concatenate3A_143 = tpu.concatenate %slice3A_141, %slice3A_142 in 0 : vector<1x64xi32>, vector<15x64xi32> -> vector<16x64xi32>
      %lt3A_144 = vector.broadcast %broadcast_in_dim3A_137 : vector<1x64xi32> to vector<16x64xi32>
      %lt3A_145 = arith.cmpi slt, %iota3A_36, %lt3A_144 : vector<16x64xi32>
      %eq3A_146 = vector.broadcast %broadcast_in_dim3A_137 : vector<1x64xi32> to vector<16x64xi32>
      %eq3A_147 = arith.cmpi eq, %iota3A_36, %eq3A_146 : vector<16x64xi32>
      %broadcast_in_dim3A_148 = vector.shape_cast %slice3A_116 : vector<1x64xf32> to vector<1x64xf32>
      %broadcast_in_dim3A_149 = vector.broadcast %broadcast_in_dim3A_148 : vector<1x64xf32> to vector<16x64xf32>
      %select_n3A_150 = arith.select %eq3A_147, %broadcast_in_dim3A_149, %concatenate3A_140 : vector<16x64xi1>, vector<16x64xf32>
      %select_n3A_151 = arith.select %lt3A_145, %get3A_123, %select_n3A_150 : vector<16x64xi1>, vector<16x64xf32>
      %lt3A_152 = vector.broadcast %broadcast_in_dim3A_137 : vector<1x64xi32> to vector<16x64xi32>
      %lt3A_153 = arith.cmpi slt, %iota3A_36, %lt3A_152 : vector<16x64xi32>
      %eq3A_154 = vector.broadcast %broadcast_in_dim3A_137 : vector<1x64xi32> to vector<16x64xi32>
      %eq3A_155 = arith.cmpi eq, %iota3A_36, %eq3A_154 : vector<16x64xi32>
      %broadcast_in_dim3A_156 = vector.shape_cast %add3A_120 : vector<1x64xi32> to vector<1x64xi32>
      %broadcast_in_dim3A_157 = vector.broadcast %broadcast_in_dim3A_156 : vector<1x64xi32> to vector<16x64xi32>
      %select_n3A_158 = arith.select %eq3A_155, %broadcast_in_dim3A_157, %concatenate3A_143 : vector<16x64xi1>, vector<16x64xi32>
      %select_n3A_159 = arith.select %lt3A_153, %get3A_126, %select_n3A_158 : vector<16x64xi1>, vector<16x64xi32>
      %jit3A_160 = arith.constant -1.000000e+00 : f32
      %broadcast_in_dim3A_161 = vector.broadcast %jit3A_160 : f32 to vector<16x64xf32>
      %select_n3A_162 = arith.select %lt3A_38, %select_n3A_151, %broadcast_in_dim3A_161 : vector<16x64xi1>, vector<16x64xf32>
      %swap3A_163 = arith.constant 0 : index
      %swap3A_164 = arith.constant 0 : index
      %swap3A_165 = vector.load %arg6[%swap3A_163, %swap3A_164] : memref<16x64xf32, #tpu.memory_space<vmem>>, vector<16x64xf32>
      tpu.vector_store %arg6[%swap3A_163, %swap3A_164], %select_n3A_162 {strides = array<i32>} : memref<16x64xf32, #tpu.memory_space<vmem>>, vector<16x64xf32>,
      %jit3A_166 = arith.constant 0 : i32
      %broadcast_in_dim3A_167 = vector.broadcast %jit3A_166 : i32 to vector<16x64xi32>
      %select_n3A_168 = arith.select %lt3A_38, %select_n3A_159, %broadcast_in_dim3A_167 : vector<16x64xi1>, vector<16x64xi32>
      %swap3A_169 = arith.constant 0 : index
      %swap3A_170 = arith.constant 0 : index
      %swap3A_171 = vector.load %arg7[%swap3A_169, %swap3A_170] : memref<16x64xi32, #tpu.memory_space<vmem>>, vector<16x64xi32>
      tpu.vector_store %arg7[%swap3A_169, %swap3A_170], %select_n3A_168 {strides = array<i32>} : memref<16x64xi32, #tpu.memory_space<vmem>>, vector<16x64xi32>,
      %slice3A_172 = vector.extract_strided_slice %broadcast_in_dim3A_99 {offsets = [0, 64], sizes = [1, 64], strides = [1, 1]} : vector<1x128xf32> to vector<1x64xf32>
      %slice3A_173 = vector.extract_strided_slice %add3A_115 {offsets = [0, 64], sizes = [1, 64], strides = [1, 1]} : vector<1x128xi32> to vector<1x64xi32>
      %add3A_174 = arith.constant 512 : i32
      %add3A_175 = vector.broadcast %add3A_174 : i32 to vector<1x64xi32>
      %add3A_176 = arith.addi %slice3A_173, %add3A_175 : vector<1x64xi32>
      %get3A_177 = arith.constant 0 : index
      %get3A_178 = arith.constant 0 : index
      %get3A_179 = vector.load %arg6[%get3A_177, %get3A_178] : memref<16x64xf32, #tpu.memory_space<vmem>>, vector<16x64xf32>
      %get3A_180 = arith.constant 0 : index
      %get3A_181 = arith.constant 0 : index
      %get3A_182 = vector.load %arg7[%get3A_180, %get3A_181] : memref<16x64xi32, #tpu.memory_space<vmem>>, vector<16x64xi32>
      %gt3A_183 = vector.broadcast %slice3A_172 : vector<1x64xf32> to vector<16x64xf32>
      %gt3A_184 = arith.cmpf ogt, %get3A_179, %gt3A_183 : vector<16x64xf32>
      %eq3A_185 = vector.broadcast %slice3A_172 : vector<1x64xf32> to vector<16x64xf32>
      %eq3A_186 = arith.cmpf oeq, %get3A_179, %eq3A_185 : vector<16x64xf32>
      %lt3A_187 = vector.broadcast %add3A_176 : vector<1x64xi32> to vector<16x64xi32>
      %lt3A_188 = arith.cmpi slt, %get3A_182, %lt3A_187 : vector<16x64xi32>
      %and3A_189 = arith.andi %eq3A_186, %lt3A_188 : vector<16x64xi1>
      %or3A_190 = arith.ori %gt3A_184, %and3A_189 : vector<16x64xi1>
      %and3A_191 = arith.andi %or3A_190, %lt3A_38 : vector<16x64xi1>
      %convert_element_type3A_192 = arith.extui %and3A_191 : vector<16x64xi1> to vector<16x64xi32>
      %reduce_sum3A_193 = arith.constant dense<0> : vector<64xi32>
      %reduce_sum3A_194 = vector.multi_reduction <add>, %convert_element_type3A_192, %reduce_sum3A_193 [0] : vector<16x64xi32> to vector<64xi32>
      %broadcast_in_dim3A_195 = vector.shape_cast %reduce_sum3A_194 : vector<64xi32> to vector<1x64xi32>
      %slice3A_196 = vector.extract_strided_slice %get3A_179 {offsets = [0, 0], sizes = [1, 64], strides = [1, 1]} : vector<16x64xf32> to vector<1x64xf32>
      %slice3A_197 = vector.extract_strided_slice %get3A_179 {offsets = [0, 0], sizes = [15, 64], strides = [1, 1]} : vector<16x64xf32> to vector<15x64xf32>
      %concatenate3A_198 = tpu.concatenate %slice3A_196, %slice3A_197 in 0 : vector<1x64xf32>, vector<15x64xf32> -> vector<16x64xf32>
      %slice3A_199 = vector.extract_strided_slice %get3A_182 {offsets = [0, 0], sizes = [1, 64], strides = [1, 1]} : vector<16x64xi32> to vector<1x64xi32>
      %slice3A_200 = vector.extract_strided_slice %get3A_182 {offsets = [0, 0], sizes = [15, 64], strides = [1, 1]} : vector<16x64xi32> to vector<15x64xi32>
      %concatenate3A_201 = tpu.concatenate %slice3A_199, %slice3A_200 in 0 : vector<1x64xi32>, vector<15x64xi32> -> vector<16x64xi32>
      %lt3A_202 = vector.broadcast %broadcast_in_dim3A_195 : vector<1x64xi32> to vector<16x64xi32>
      %lt3A_203 = arith.cmpi slt, %iota3A_36, %lt3A_202 : vector<16x64xi32>
      %eq3A_204 = vector.broadcast %broadcast_in_dim3A_195 : vector<1x64xi32> to vector<16x64xi32>
      %eq3A_205 = arith.cmpi eq, %iota3A_36, %eq3A_204 : vector<16x64xi32>
      %broadcast_in_dim3A_206 = vector.shape_cast %slice3A_172 : vector<1x64xf32> to vector<1x64xf32>
      %broadcast_in_dim3A_207 = vector.broadcast %broadcast_in_dim3A_206 : vector<1x64xf32> to vector<16x64xf32>
      %select_n3A_208 = arith.select %eq3A_205, %broadcast_in_dim3A_207, %concatenate3A_198 : vector<16x64xi1>, vector<16x64xf32>
      %select_n3A_209 = arith.select %lt3A_203, %get3A_179, %select_n3A_208 : vector<16x64xi1>, vector<16x64xf32>
      %lt3A_210 = vector.broadcast %broadcast_in_dim3A_195 : vector<1x64xi32> to vector<16x64xi32>
      %lt3A_211 = arith.cmpi slt, %iota3A_36, %lt3A_210 : vector<16x64xi32>
      %eq3A_212 = vector.broadcast %broadcast_in_dim3A_195 : vector<1x64xi32> to vector<16x64xi32>
      %eq3A_213 = arith.cmpi eq, %iota3A_36, %eq3A_212 : vector<16x64xi32>
      %broadcast_in_dim3A_214 = vector.shape_cast %add3A_176 : vector<1x64xi32> to vector<1x64xi32>
      %broadcast_in_dim3A_215 = vector.broadcast %broadcast_in_dim3A_214 : vector<1x64xi32> to vector<16x64xi32>
      %select_n3A_216 = arith.select %eq3A_213, %broadcast_in_dim3A_215, %concatenate3A_201 : vector<16x64xi1>, vector<16x64xi32>
      %select_n3A_217 = arith.select %lt3A_211, %get3A_182, %select_n3A_216 : vector<16x64xi1>, vector<16x64xi32>
      %jit3A_218 = arith.constant -1.000000e+00 : f32
      %broadcast_in_dim3A_219 = vector.broadcast %jit3A_218 : f32 to vector<16x64xf32>
      %select_n3A_220 = arith.select %lt3A_38, %select_n3A_209, %broadcast_in_dim3A_219 : vector<16x64xi1>, vector<16x64xf32>
      %swap3A_221 = arith.constant 0 : index
      %swap3A_222 = arith.constant 0 : index
      %swap3A_223 = vector.load %arg6[%swap3A_221, %swap3A_222] : memref<16x64xf32, #tpu.memory_space<vmem>>, vector<16x64xf32>
      tpu.vector_store %arg6[%swap3A_221, %swap3A_222], %select_n3A_220 {strides = array<i32>} : memref<16x64xf32, #tpu.memory_space<vmem>>, vector<16x64xf32>,
      %jit3A_224 = arith.constant 0 : i32
      %broadcast_in_dim3A_225 = vector.broadcast %jit3A_224 : i32 to vector<16x64xi32>
      %select_n3A_226 = arith.select %lt3A_38, %select_n3A_217, %broadcast_in_dim3A_225 : vector<16x64xi1>, vector<16x64xi32>
      %swap3A_227 = arith.constant 0 : index
      %swap3A_228 = arith.constant 0 : index
      %swap3A_229 = vector.load %arg7[%swap3A_227, %swap3A_228] : memref<16x64xi32, #tpu.memory_space<vmem>>, vector<16x64xi32>
      tpu.vector_store %arg7[%swap3A_227, %swap3A_228], %select_n3A_226 {strides = array<i32>} : memref<16x64xi32, #tpu.memory_space<vmem>>, vector<16x64xi32>,
    } else {
    }
    %gt3A_49 = arith.constant 2 : i32
    %gt3A_50 = arith.cmpi sgt, %reduce_max3A_35, %gt3A_49 : i32
    %convert_element_type3A_51 = arith.extui %gt3A_50 : i1 to i32
    %cond3A_52 = arith.constant 0 : i32
    %cond3A_53 = arith.cmpi ne, %convert_element_type3A_51, %cond3A_52 : i32
    scf.if %cond3A_53 {
      %get3A_94 = arith.constant 0 : index
      %get3A_95 = arith.constant 0 : index
      %get3A_96 = vector.load %arg8[%get3A_94, %get3A_95] : memref<512x128xf32, #tpu.memory_space<vmem>>, vector<512x128xf32>
      %reduce_max3A_97 = arith.constant dense<0xFF800000> : vector<128xf32>
      %reduce_max3A_98 = vector.multi_reduction <maximumf>, %get3A_96, %reduce_max3A_97 [0] : vector<512x128xf32> to vector<128xf32>
      %broadcast_in_dim3A_99 = vector.shape_cast %reduce_max3A_98 : vector<128xf32> to vector<1x128xf32>
      %eq3A_100 = vector.broadcast %broadcast_in_dim3A_99 : vector<1x128xf32> to vector<512x128xf32>
      %eq3A_101 = arith.cmpf oeq, %get3A_96, %eq3A_100 : vector<512x128xf32>
      %jit3A = arith.constant 512 : i32
      %broadcast_in_dim3A_102 = vector.broadcast %jit3A : i32 to vector<512x128xi32>
      %select_n3A = arith.select %eq3A_101, %iota3A, %broadcast_in_dim3A_102 : vector<512x128xi1>, vector<512x128xi32>
      %reduce_min3A = arith.constant dense<2147483647> : vector<128xi32>
      %reduce_min3A_103 = vector.multi_reduction <minsi>, %select_n3A, %reduce_min3A [0] : vector<512x128xi32> to vector<128xi32>
      %broadcast_in_dim3A_104 = vector.shape_cast %reduce_min3A_103 : vector<128xi32> to vector<1x128xi32>
      %eq3A_105 = vector.broadcast %broadcast_in_dim3A_104 : vector<1x128xi32> to vector<512x128xi32>
      %eq3A_106 = arith.cmpi eq, %iota3A, %eq3A_105 : vector<512x128xi32>
      %jit3A_107 = arith.constant -1.000000e+00 : f32
      %broadcast_in_dim3A_108 = vector.broadcast %jit3A_107 : f32 to vector<512x128xf32>
      %select_n3A_109 = arith.select %eq3A_106, %broadcast_in_dim3A_108, %get3A_96 : vector<512x128xi1>, vector<512x128xf32>
      %swap3A_110 = arith.constant 0 : index
      %swap3A_111 = arith.constant 0 : index
      %swap3A_112 = vector.load %arg8[%swap3A_110, %swap3A_111] : memref<512x128xf32, #tpu.memory_space<vmem>>, vector<512x128xf32>
      tpu.vector_store %arg8[%swap3A_110, %swap3A_111], %select_n3A_109 {strides = array<i32>} : memref<512x128xf32, #tpu.memory_space<vmem>>, vector<512x128xf32>,
      %mul3A = arith.constant 1024 : i32
      %mul3A_113 = arith.muli %arg0, %mul3A : i32
      %add3A_114 = vector.broadcast %mul3A_113 : i32 to vector<1x128xi32>
      %add3A_115 = arith.addi %add3A_114, %broadcast_in_dim3A_104 : vector<1x128xi32>
      %slice3A_116 = vector.extract_strided_slice %broadcast_in_dim3A_99 {offsets = [0, 0], sizes = [1, 64], strides = [1, 1]} : vector<1x128xf32> to vector<1x64xf32>
      %slice3A_117 = vector.extract_strided_slice %add3A_115 {offsets = [0, 0], sizes = [1, 64], strides = [1, 1]} : vector<1x128xi32> to vector<1x64xi32>
      %add3A_118 = arith.constant 0 : i32
      %add3A_119 = vector.broadcast %add3A_118 : i32 to vector<1x64xi32>
      %add3A_120 = arith.addi %slice3A_117, %add3A_119 : vector<1x64xi32>
      %get3A_121 = arith.constant 0 : index
      %get3A_122 = arith.constant 0 : index
      %get3A_123 = vector.load %arg6[%get3A_121, %get3A_122] : memref<16x64xf32, #tpu.memory_space<vmem>>, vector<16x64xf32>
      %get3A_124 = arith.constant 0 : index
      %get3A_125 = arith.constant 0 : index
      %get3A_126 = vector.load %arg7[%get3A_124, %get3A_125] : memref<16x64xi32, #tpu.memory_space<vmem>>, vector<16x64xi32>
      %gt3A_127 = vector.broadcast %slice3A_116 : vector<1x64xf32> to vector<16x64xf32>
      %gt3A_128 = arith.cmpf ogt, %get3A_123, %gt3A_127 : vector<16x64xf32>
      %eq3A_129 = vector.broadcast %slice3A_116 : vector<1x64xf32> to vector<16x64xf32>
      %eq3A_130 = arith.cmpf oeq, %get3A_123, %eq3A_129 : vector<16x64xf32>
      %lt3A_131 = vector.broadcast %add3A_120 : vector<1x64xi32> to vector<16x64xi32>
      %lt3A_132 = arith.cmpi slt, %get3A_126, %lt3A_131 : vector<16x64xi32>
      %and3A = arith.andi %eq3A_130, %lt3A_132 : vector<16x64xi1>
      %or3A = arith.ori %gt3A_128, %and3A : vector<16x64xi1>
      %and3A_133 = arith.andi %or3A, %lt3A_38 : vector<16x64xi1>
      %convert_element_type3A_134 = arith.extui %and3A_133 : vector<16x64xi1> to vector<16x64xi32>
      %reduce_sum3A_135 = arith.constant dense<0> : vector<64xi32>
      %reduce_sum3A_136 = vector.multi_reduction <add>, %convert_element_type3A_134, %reduce_sum3A_135 [0] : vector<16x64xi32> to vector<64xi32>
      %broadcast_in_dim3A_137 = vector.shape_cast %reduce_sum3A_136 : vector<64xi32> to vector<1x64xi32>
      %slice3A_138 = vector.extract_strided_slice %get3A_123 {offsets = [0, 0], sizes = [1, 64], strides = [1, 1]} : vector<16x64xf32> to vector<1x64xf32>
      %slice3A_139 = vector.extract_strided_slice %get3A_123 {offsets = [0, 0], sizes = [15, 64], strides = [1, 1]} : vector<16x64xf32> to vector<15x64xf32>
      %concatenate3A_140 = tpu.concatenate %slice3A_138, %slice3A_139 in 0 : vector<1x64xf32>, vector<15x64xf32> -> vector<16x64xf32>
      %slice3A_141 = vector.extract_strided_slice %get3A_126 {offsets = [0, 0], sizes = [1, 64], strides = [1, 1]} : vector<16x64xi32> to vector<1x64xi32>
      %slice3A_142 = vector.extract_strided_slice %get3A_126 {offsets = [0, 0], sizes = [15, 64], strides = [1, 1]} : vector<16x64xi32> to vector<15x64xi32>
      %concatenate3A_143 = tpu.concatenate %slice3A_141, %slice3A_142 in 0 : vector<1x64xi32>, vector<15x64xi32> -> vector<16x64xi32>
      %lt3A_144 = vector.broadcast %broadcast_in_dim3A_137 : vector<1x64xi32> to vector<16x64xi32>
      %lt3A_145 = arith.cmpi slt, %iota3A_36, %lt3A_144 : vector<16x64xi32>
      %eq3A_146 = vector.broadcast %broadcast_in_dim3A_137 : vector<1x64xi32> to vector<16x64xi32>
      %eq3A_147 = arith.cmpi eq, %iota3A_36, %eq3A_146 : vector<16x64xi32>
      %broadcast_in_dim3A_148 = vector.shape_cast %slice3A_116 : vector<1x64xf32> to vector<1x64xf32>
      %broadcast_in_dim3A_149 = vector.broadcast %broadcast_in_dim3A_148 : vector<1x64xf32> to vector<16x64xf32>
      %select_n3A_150 = arith.select %eq3A_147, %broadcast_in_dim3A_149, %concatenate3A_140 : vector<16x64xi1>, vector<16x64xf32>
      %select_n3A_151 = arith.select %lt3A_145, %get3A_123, %select_n3A_150 : vector<16x64xi1>, vector<16x64xf32>
      %lt3A_152 = vector.broadcast %broadcast_in_dim3A_137 : vector<1x64xi32> to vector<16x64xi32>
      %lt3A_153 = arith.cmpi slt, %iota3A_36, %lt3A_152 : vector<16x64xi32>
      %eq3A_154 = vector.broadcast %broadcast_in_dim3A_137 : vector<1x64xi32> to vector<16x64xi32>
      %eq3A_155 = arith.cmpi eq, %iota3A_36, %eq3A_154 : vector<16x64xi32>
      %broadcast_in_dim3A_156 = vector.shape_cast %add3A_120 : vector<1x64xi32> to vector<1x64xi32>
      %broadcast_in_dim3A_157 = vector.broadcast %broadcast_in_dim3A_156 : vector<1x64xi32> to vector<16x64xi32>
      %select_n3A_158 = arith.select %eq3A_155, %broadcast_in_dim3A_157, %concatenate3A_143 : vector<16x64xi1>, vector<16x64xi32>
      %select_n3A_159 = arith.select %lt3A_153, %get3A_126, %select_n3A_158 : vector<16x64xi1>, vector<16x64xi32>
      %jit3A_160 = arith.constant -1.000000e+00 : f32
      %broadcast_in_dim3A_161 = vector.broadcast %jit3A_160 : f32 to vector<16x64xf32>
      %select_n3A_162 = arith.select %lt3A_38, %select_n3A_151, %broadcast_in_dim3A_161 : vector<16x64xi1>, vector<16x64xf32>
      %swap3A_163 = arith.constant 0 : index
      %swap3A_164 = arith.constant 0 : index
      %swap3A_165 = vector.load %arg6[%swap3A_163, %swap3A_164] : memref<16x64xf32, #tpu.memory_space<vmem>>, vector<16x64xf32>
      tpu.vector_store %arg6[%swap3A_163, %swap3A_164], %select_n3A_162 {strides = array<i32>} : memref<16x64xf32, #tpu.memory_space<vmem>>, vector<16x64xf32>,
      %jit3A_166 = arith.constant 0 : i32
      %broadcast_in_dim3A_167 = vector.broadcast %jit3A_166 : i32 to vector<16x64xi32>
      %select_n3A_168 = arith.select %lt3A_38, %select_n3A_159, %broadcast_in_dim3A_167 : vector<16x64xi1>, vector<16x64xi32>
      %swap3A_169 = arith.constant 0 : index
      %swap3A_170 = arith.constant 0 : index
      %swap3A_171 = vector.load %arg7[%swap3A_169, %swap3A_170] : memref<16x64xi32, #tpu.memory_space<vmem>>, vector<16x64xi32>
      tpu.vector_store %arg7[%swap3A_169, %swap3A_170], %select_n3A_168 {strides = array<i32>} : memref<16x64xi32, #tpu.memory_space<vmem>>, vector<16x64xi32>,
      %slice3A_172 = vector.extract_strided_slice %broadcast_in_dim3A_99 {offsets = [0, 64], sizes = [1, 64], strides = [1, 1]} : vector<1x128xf32> to vector<1x64xf32>
      %slice3A_173 = vector.extract_strided_slice %add3A_115 {offsets = [0, 64], sizes = [1, 64], strides = [1, 1]} : vector<1x128xi32> to vector<1x64xi32>
      %add3A_174 = arith.constant 512 : i32
      %add3A_175 = vector.broadcast %add3A_174 : i32 to vector<1x64xi32>
      %add3A_176 = arith.addi %slice3A_173, %add3A_175 : vector<1x64xi32>
      %get3A_177 = arith.constant 0 : index
      %get3A_178 = arith.constant 0 : index
      %get3A_179 = vector.load %arg6[%get3A_177, %get3A_178] : memref<16x64xf32, #tpu.memory_space<vmem>>, vector<16x64xf32>
      %get3A_180 = arith.constant 0 : index
      %get3A_181 = arith.constant 0 : index
      %get3A_182 = vector.load %arg7[%get3A_180, %get3A_181] : memref<16x64xi32, #tpu.memory_space<vmem>>, vector<16x64xi32>
      %gt3A_183 = vector.broadcast %slice3A_172 : vector<1x64xf32> to vector<16x64xf32>
      %gt3A_184 = arith.cmpf ogt, %get3A_179, %gt3A_183 : vector<16x64xf32>
      %eq3A_185 = vector.broadcast %slice3A_172 : vector<1x64xf32> to vector<16x64xf32>
      %eq3A_186 = arith.cmpf oeq, %get3A_179, %eq3A_185 : vector<16x64xf32>
      %lt3A_187 = vector.broadcast %add3A_176 : vector<1x64xi32> to vector<16x64xi32>
      %lt3A_188 = arith.cmpi slt, %get3A_182, %lt3A_187 : vector<16x64xi32>
      %and3A_189 = arith.andi %eq3A_186, %lt3A_188 : vector<16x64xi1>
      %or3A_190 = arith.ori %gt3A_184, %and3A_189 : vector<16x64xi1>
      %and3A_191 = arith.andi %or3A_190, %lt3A_38 : vector<16x64xi1>
      %convert_element_type3A_192 = arith.extui %and3A_191 : vector<16x64xi1> to vector<16x64xi32>
      %reduce_sum3A_193 = arith.constant dense<0> : vector<64xi32>
      %reduce_sum3A_194 = vector.multi_reduction <add>, %convert_element_type3A_192, %reduce_sum3A_193 [0] : vector<16x64xi32> to vector<64xi32>
      %broadcast_in_dim3A_195 = vector.shape_cast %reduce_sum3A_194 : vector<64xi32> to vector<1x64xi32>
      %slice3A_196 = vector.extract_strided_slice %get3A_179 {offsets = [0, 0], sizes = [1, 64], strides = [1, 1]} : vector<16x64xf32> to vector<1x64xf32>
      %slice3A_197 = vector.extract_strided_slice %get3A_179 {offsets = [0, 0], sizes = [15, 64], strides = [1, 1]} : vector<16x64xf32> to vector<15x64xf32>
      %concatenate3A_198 = tpu.concatenate %slice3A_196, %slice3A_197 in 0 : vector<1x64xf32>, vector<15x64xf32> -> vector<16x64xf32>
      %slice3A_199 = vector.extract_strided_slice %get3A_182 {offsets = [0, 0], sizes = [1, 64], strides = [1, 1]} : vector<16x64xi32> to vector<1x64xi32>
      %slice3A_200 = vector.extract_strided_slice %get3A_182 {offsets = [0, 0], sizes = [15, 64], strides = [1, 1]} : vector<16x64xi32> to vector<15x64xi32>
      %concatenate3A_201 = tpu.concatenate %slice3A_199, %slice3A_200 in 0 : vector<1x64xi32>, vector<15x64xi32> -> vector<16x64xi32>
      %lt3A_202 = vector.broadcast %broadcast_in_dim3A_195 : vector<1x64xi32> to vector<16x64xi32>
      %lt3A_203 = arith.cmpi slt, %iota3A_36, %lt3A_202 : vector<16x64xi32>
      %eq3A_204 = vector.broadcast %broadcast_in_dim3A_195 : vector<1x64xi32> to vector<16x64xi32>
      %eq3A_205 = arith.cmpi eq, %iota3A_36, %eq3A_204 : vector<16x64xi32>
      %broadcast_in_dim3A_206 = vector.shape_cast %slice3A_172 : vector<1x64xf32> to vector<1x64xf32>
      %broadcast_in_dim3A_207 = vector.broadcast %broadcast_in_dim3A_206 : vector<1x64xf32> to vector<16x64xf32>
      %select_n3A_208 = arith.select %eq3A_205, %broadcast_in_dim3A_207, %concatenate3A_198 : vector<16x64xi1>, vector<16x64xf32>
      %select_n3A_209 = arith.select %lt3A_203, %get3A_179, %select_n3A_208 : vector<16x64xi1>, vector<16x64xf32>
      %lt3A_210 = vector.broadcast %broadcast_in_dim3A_195 : vector<1x64xi32> to vector<16x64xi32>
      %lt3A_211 = arith.cmpi slt, %iota3A_36, %lt3A_210 : vector<16x64xi32>
      %eq3A_212 = vector.broadcast %broadcast_in_dim3A_195 : vector<1x64xi32> to vector<16x64xi32>
      %eq3A_213 = arith.cmpi eq, %iota3A_36, %eq3A_212 : vector<16x64xi32>
      %broadcast_in_dim3A_214 = vector.shape_cast %add3A_176 : vector<1x64xi32> to vector<1x64xi32>
      %broadcast_in_dim3A_215 = vector.broadcast %broadcast_in_dim3A_214 : vector<1x64xi32> to vector<16x64xi32>
      %select_n3A_216 = arith.select %eq3A_213, %broadcast_in_dim3A_215, %concatenate3A_201 : vector<16x64xi1>, vector<16x64xi32>
      %select_n3A_217 = arith.select %lt3A_211, %get3A_182, %select_n3A_216 : vector<16x64xi1>, vector<16x64xi32>
      %jit3A_218 = arith.constant -1.000000e+00 : f32
      %broadcast_in_dim3A_219 = vector.broadcast %jit3A_218 : f32 to vector<16x64xf32>
      %select_n3A_220 = arith.select %lt3A_38, %select_n3A_209, %broadcast_in_dim3A_219 : vector<16x64xi1>, vector<16x64xf32>
      %swap3A_221 = arith.constant 0 : index
      %swap3A_222 = arith.constant 0 : index
      %swap3A_223 = vector.load %arg6[%swap3A_221, %swap3A_222] : memref<16x64xf32, #tpu.memory_space<vmem>>, vector<16x64xf32>
      tpu.vector_store %arg6[%swap3A_221, %swap3A_222], %select_n3A_220 {strides = array<i32>} : memref<16x64xf32, #tpu.memory_space<vmem>>, vector<16x64xf32>,
      %jit3A_224 = arith.constant 0 : i32
      %broadcast_in_dim3A_225 = vector.broadcast %jit3A_224 : i32 to vector<16x64xi32>
      %select_n3A_226 = arith.select %lt3A_38, %select_n3A_217, %broadcast_in_dim3A_225 : vector<16x64xi1>, vector<16x64xi32>
      %swap3A_227 = arith.constant 0 : index
      %swap3A_228 = arith.constant 0 : index
      %swap3A_229 = vector.load %arg7[%swap3A_227, %swap3A_228] : memref<16x64xi32, #tpu.memory_space<vmem>>, vector<16x64xi32>
      tpu.vector_store %arg7[%swap3A_227, %swap3A_228], %select_n3A_226 {strides = array<i32>} : memref<16x64xi32, #tpu.memory_space<vmem>>, vector<16x64xi32>,
    } else {
    }
    %gt3A_54 = arith.constant 3 : i32
    %gt3A_55 = arith.cmpi sgt, %reduce_max3A_35, %gt3A_54 : i32
    %convert_element_type3A_56 = arith.extui %gt3A_55 : i1 to i32
    %cond3A_57 = arith.constant 0 : i32
    %cond3A_58 = arith.cmpi ne, %convert_element_type3A_56, %cond3A_57 : i32
    scf.if %cond3A_58 {
      %get3A_94 = arith.constant 0 : index
      %get3A_95 = arith.constant 0 : index
      %get3A_96 = vector.load %arg8[%get3A_94, %get3A_95] : memref<512x128xf32, #tpu.memory_space<vmem>>, vector<512x128xf32>
      %reduce_max3A_97 = arith.constant dense<0xFF800000> : vector<128xf32>
      %reduce_max3A_98 = vector.multi_reduction <maximumf>, %get3A_96, %reduce_max3A_97 [0] : vector<512x128xf32> to vector<128xf32>
      %broadcast_in_dim3A_99 = vector.shape_cast %reduce_max3A_98 : vector<128xf32> to vector<1x128xf32>
      %eq3A_100 = vector.broadcast %broadcast_in_dim3A_99 : vector<1x128xf32> to vector<512x128xf32>
      %eq3A_101 = arith.cmpf oeq, %get3A_96, %eq3A_100 : vector<512x128xf32>
      %jit3A = arith.constant 512 : i32
      %broadcast_in_dim3A_102 = vector.broadcast %jit3A : i32 to vector<512x128xi32>
      %select_n3A = arith.select %eq3A_101, %iota3A, %broadcast_in_dim3A_102 : vector<512x128xi1>, vector<512x128xi32>
      %reduce_min3A = arith.constant dense<2147483647> : vector<128xi32>
      %reduce_min3A_103 = vector.multi_reduction <minsi>, %select_n3A, %reduce_min3A [0] : vector<512x128xi32> to vector<128xi32>
      %broadcast_in_dim3A_104 = vector.shape_cast %reduce_min3A_103 : vector<128xi32> to vector<1x128xi32>
      %eq3A_105 = vector.broadcast %broadcast_in_dim3A_104 : vector<1x128xi32> to vector<512x128xi32>
      %eq3A_106 = arith.cmpi eq, %iota3A, %eq3A_105 : vector<512x128xi32>
      %jit3A_107 = arith.constant -1.000000e+00 : f32
      %broadcast_in_dim3A_108 = vector.broadcast %jit3A_107 : f32 to vector<512x128xf32>
      %select_n3A_109 = arith.select %eq3A_106, %broadcast_in_dim3A_108, %get3A_96 : vector<512x128xi1>, vector<512x128xf32>
      %swap3A_110 = arith.constant 0 : index
      %swap3A_111 = arith.constant 0 : index
      %swap3A_112 = vector.load %arg8[%swap3A_110, %swap3A_111] : memref<512x128xf32, #tpu.memory_space<vmem>>, vector<512x128xf32>
      tpu.vector_store %arg8[%swap3A_110, %swap3A_111], %select_n3A_109 {strides = array<i32>} : memref<512x128xf32, #tpu.memory_space<vmem>>, vector<512x128xf32>,
      %mul3A = arith.constant 1024 : i32
      %mul3A_113 = arith.muli %arg0, %mul3A : i32
      %add3A_114 = vector.broadcast %mul3A_113 : i32 to vector<1x128xi32>
      %add3A_115 = arith.addi %add3A_114, %broadcast_in_dim3A_104 : vector<1x128xi32>
      %slice3A_116 = vector.extract_strided_slice %broadcast_in_dim3A_99 {offsets = [0, 0], sizes = [1, 64], strides = [1, 1]} : vector<1x128xf32> to vector<1x64xf32>
      %slice3A_117 = vector.extract_strided_slice %add3A_115 {offsets = [0, 0], sizes = [1, 64], strides = [1, 1]} : vector<1x128xi32> to vector<1x64xi32>
      %add3A_118 = arith.constant 0 : i32
      %add3A_119 = vector.broadcast %add3A_118 : i32 to vector<1x64xi32>
      %add3A_120 = arith.addi %slice3A_117, %add3A_119 : vector<1x64xi32>
      %get3A_121 = arith.constant 0 : index
      %get3A_122 = arith.constant 0 : index
      %get3A_123 = vector.load %arg6[%get3A_121, %get3A_122] : memref<16x64xf32, #tpu.memory_space<vmem>>, vector<16x64xf32>
      %get3A_124 = arith.constant 0 : index
      %get3A_125 = arith.constant 0 : index
      %get3A_126 = vector.load %arg7[%get3A_124, %get3A_125] : memref<16x64xi32, #tpu.memory_space<vmem>>, vector<16x64xi32>
      %gt3A_127 = vector.broadcast %slice3A_116 : vector<1x64xf32> to vector<16x64xf32>
      %gt3A_128 = arith.cmpf ogt, %get3A_123, %gt3A_127 : vector<16x64xf32>
      %eq3A_129 = vector.broadcast %slice3A_116 : vector<1x64xf32> to vector<16x64xf32>
      %eq3A_130 = arith.cmpf oeq, %get3A_123, %eq3A_129 : vector<16x64xf32>
      %lt3A_131 = vector.broadcast %add3A_120 : vector<1x64xi32> to vector<16x64xi32>
      %lt3A_132 = arith.cmpi slt, %get3A_126, %lt3A_131 : vector<16x64xi32>
      %and3A = arith.andi %eq3A_130, %lt3A_132 : vector<16x64xi1>
      %or3A = arith.ori %gt3A_128, %and3A : vector<16x64xi1>
      %and3A_133 = arith.andi %or3A, %lt3A_38 : vector<16x64xi1>
      %convert_element_type3A_134 = arith.extui %and3A_133 : vector<16x64xi1> to vector<16x64xi32>
      %reduce_sum3A_135 = arith.constant dense<0> : vector<64xi32>
      %reduce_sum3A_136 = vector.multi_reduction <add>, %convert_element_type3A_134, %reduce_sum3A_135 [0] : vector<16x64xi32> to vector<64xi32>
      %broadcast_in_dim3A_137 = vector.shape_cast %reduce_sum3A_136 : vector<64xi32> to vector<1x64xi32>
      %slice3A_138 = vector.extract_strided_slice %get3A_123 {offsets = [0, 0], sizes = [1, 64], strides = [1, 1]} : vector<16x64xf32> to vector<1x64xf32>
      %slice3A_139 = vector.extract_strided_slice %get3A_123 {offsets = [0, 0], sizes = [15, 64], strides = [1, 1]} : vector<16x64xf32> to vector<15x64xf32>
      %concatenate3A_140 = tpu.concatenate %slice3A_138, %slice3A_139 in 0 : vector<1x64xf32>, vector<15x64xf32> -> vector<16x64xf32>
      %slice3A_141 = vector.extract_strided_slice %get3A_126 {offsets = [0, 0], sizes = [1, 64], strides = [1, 1]} : vector<16x64xi32> to vector<1x64xi32>
      %slice3A_142 = vector.extract_strided_slice %get3A_126 {offsets = [0, 0], sizes = [15, 64], strides = [1, 1]} : vector<16x64xi32> to vector<15x64xi32>
      %concatenate3A_143 = tpu.concatenate %slice3A_141, %slice3A_142 in 0 : vector<1x64xi32>, vector<15x64xi32> -> vector<16x64xi32>
      %lt3A_144 = vector.broadcast %broadcast_in_dim3A_137 : vector<1x64xi32> to vector<16x64xi32>
      %lt3A_145 = arith.cmpi slt, %iota3A_36, %lt3A_144 : vector<16x64xi32>
      %eq3A_146 = vector.broadcast %broadcast_in_dim3A_137 : vector<1x64xi32> to vector<16x64xi32>
      %eq3A_147 = arith.cmpi eq, %iota3A_36, %eq3A_146 : vector<16x64xi32>
      %broadcast_in_dim3A_148 = vector.shape_cast %slice3A_116 : vector<1x64xf32> to vector<1x64xf32>
      %broadcast_in_dim3A_149 = vector.broadcast %broadcast_in_dim3A_148 : vector<1x64xf32> to vector<16x64xf32>
      %select_n3A_150 = arith.select %eq3A_147, %broadcast_in_dim3A_149, %concatenate3A_140 : vector<16x64xi1>, vector<16x64xf32>
      %select_n3A_151 = arith.select %lt3A_145, %get3A_123, %select_n3A_150 : vector<16x64xi1>, vector<16x64xf32>
      %lt3A_152 = vector.broadcast %broadcast_in_dim3A_137 : vector<1x64xi32> to vector<16x64xi32>
      %lt3A_153 = arith.cmpi slt, %iota3A_36, %lt3A_152 : vector<16x64xi32>
      %eq3A_154 = vector.broadcast %broadcast_in_dim3A_137 : vector<1x64xi32> to vector<16x64xi32>
      %eq3A_155 = arith.cmpi eq, %iota3A_36, %eq3A_154 : vector<16x64xi32>
      %broadcast_in_dim3A_156 = vector.shape_cast %add3A_120 : vector<1x64xi32> to vector<1x64xi32>
      %broadcast_in_dim3A_157 = vector.broadcast %broadcast_in_dim3A_156 : vector<1x64xi32> to vector<16x64xi32>
      %select_n3A_158 = arith.select %eq3A_155, %broadcast_in_dim3A_157, %concatenate3A_143 : vector<16x64xi1>, vector<16x64xi32>
      %select_n3A_159 = arith.select %lt3A_153, %get3A_126, %select_n3A_158 : vector<16x64xi1>, vector<16x64xi32>
      %jit3A_160 = arith.constant -1.000000e+00 : f32
      %broadcast_in_dim3A_161 = vector.broadcast %jit3A_160 : f32 to vector<16x64xf32>
      %select_n3A_162 = arith.select %lt3A_38, %select_n3A_151, %broadcast_in_dim3A_161 : vector<16x64xi1>, vector<16x64xf32>
      %swap3A_163 = arith.constant 0 : index
      %swap3A_164 = arith.constant 0 : index
      %swap3A_165 = vector.load %arg6[%swap3A_163, %swap3A_164] : memref<16x64xf32, #tpu.memory_space<vmem>>, vector<16x64xf32>
      tpu.vector_store %arg6[%swap3A_163, %swap3A_164], %select_n3A_162 {strides = array<i32>} : memref<16x64xf32, #tpu.memory_space<vmem>>, vector<16x64xf32>,
      %jit3A_166 = arith.constant 0 : i32
      %broadcast_in_dim3A_167 = vector.broadcast %jit3A_166 : i32 to vector<16x64xi32>
      %select_n3A_168 = arith.select %lt3A_38, %select_n3A_159, %broadcast_in_dim3A_167 : vector<16x64xi1>, vector<16x64xi32>
      %swap3A_169 = arith.constant 0 : index
      %swap3A_170 = arith.constant 0 : index
      %swap3A_171 = vector.load %arg7[%swap3A_169, %swap3A_170] : memref<16x64xi32, #tpu.memory_space<vmem>>, vector<16x64xi32>
      tpu.vector_store %arg7[%swap3A_169, %swap3A_170], %select_n3A_168 {strides = array<i32>} : memref<16x64xi32, #tpu.memory_space<vmem>>, vector<16x64xi32>,
      %slice3A_172 = vector.extract_strided_slice %broadcast_in_dim3A_99 {offsets = [0, 64], sizes = [1, 64], strides = [1, 1]} : vector<1x128xf32> to vector<1x64xf32>
      %slice3A_173 = vector.extract_strided_slice %add3A_115 {offsets = [0, 64], sizes = [1, 64], strides = [1, 1]} : vector<1x128xi32> to vector<1x64xi32>
      %add3A_174 = arith.constant 512 : i32
      %add3A_175 = vector.broadcast %add3A_174 : i32 to vector<1x64xi32>
      %add3A_176 = arith.addi %slice3A_173, %add3A_175 : vector<1x64xi32>
      %get3A_177 = arith.constant 0 : index
      %get3A_178 = arith.constant 0 : index
      %get3A_179 = vector.load %arg6[%get3A_177, %get3A_178] : memref<16x64xf32, #tpu.memory_space<vmem>>, vector<16x64xf32>
      %get3A_180 = arith.constant 0 : index
      %get3A_181 = arith.constant 0 : index
      %get3A_182 = vector.load %arg7[%get3A_180, %get3A_181] : memref<16x64xi32, #tpu.memory_space<vmem>>, vector<16x64xi32>
      %gt3A_183 = vector.broadcast %slice3A_172 : vector<1x64xf32> to vector<16x64xf32>
      %gt3A_184 = arith.cmpf ogt, %get3A_179, %gt3A_183 : vector<16x64xf32>
      %eq3A_185 = vector.broadcast %slice3A_172 : vector<1x64xf32> to vector<16x64xf32>
      %eq3A_186 = arith.cmpf oeq, %get3A_179, %eq3A_185 : vector<16x64xf32>
      %lt3A_187 = vector.broadcast %add3A_176 : vector<1x64xi32> to vector<16x64xi32>
      %lt3A_188 = arith.cmpi slt, %get3A_182, %lt3A_187 : vector<16x64xi32>
      %and3A_189 = arith.andi %eq3A_186, %lt3A_188 : vector<16x64xi1>
      %or3A_190 = arith.ori %gt3A_184, %and3A_189 : vector<16x64xi1>
      %and3A_191 = arith.andi %or3A_190, %lt3A_38 : vector<16x64xi1>
      %convert_element_type3A_192 = arith.extui %and3A_191 : vector<16x64xi1> to vector<16x64xi32>
      %reduce_sum3A_193 = arith.constant dense<0> : vector<64xi32>
      %reduce_sum3A_194 = vector.multi_reduction <add>, %convert_element_type3A_192, %reduce_sum3A_193 [0] : vector<16x64xi32> to vector<64xi32>
      %broadcast_in_dim3A_195 = vector.shape_cast %reduce_sum3A_194 : vector<64xi32> to vector<1x64xi32>
      %slice3A_196 = vector.extract_strided_slice %get3A_179 {offsets = [0, 0], sizes = [1, 64], strides = [1, 1]} : vector<16x64xf32> to vector<1x64xf32>
      %slice3A_197 = vector.extract_strided_slice %get3A_179 {offsets = [0, 0], sizes = [15, 64], strides = [1, 1]} : vector<16x64xf32> to vector<15x64xf32>
      %concatenate3A_198 = tpu.concatenate %slice3A_196, %slice3A_197 in 0 : vector<1x64xf32>, vector<15x64xf32> -> vector<16x64xf32>
      %slice3A_199 = vector.extract_strided_slice %get3A_182 {offsets = [0, 0], sizes = [1, 64], strides = [1, 1]} : vector<16x64xi32> to vector<1x64xi32>
      %slice3A_200 = vector.extract_strided_slice %get3A_182 {offsets = [0, 0], sizes = [15, 64], strides = [1, 1]} : vector<16x64xi32> to vector<15x64xi32>
      %concatenate3A_201 = tpu.concatenate %slice3A_199, %slice3A_200 in 0 : vector<1x64xi32>, vector<15x64xi32> -> vector<16x64xi32>
      %lt3A_202 = vector.broadcast %broadcast_in_dim3A_195 : vector<1x64xi32> to vector<16x64xi32>
      %lt3A_203 = arith.cmpi slt, %iota3A_36, %lt3A_202 : vector<16x64xi32>
      %eq3A_204 = vector.broadcast %broadcast_in_dim3A_195 : vector<1x64xi32> to vector<16x64xi32>
      %eq3A_205 = arith.cmpi eq, %iota3A_36, %eq3A_204 : vector<16x64xi32>
      %broadcast_in_dim3A_206 = vector.shape_cast %slice3A_172 : vector<1x64xf32> to vector<1x64xf32>
      %broadcast_in_dim3A_207 = vector.broadcast %broadcast_in_dim3A_206 : vector<1x64xf32> to vector<16x64xf32>
      %select_n3A_208 = arith.select %eq3A_205, %broadcast_in_dim3A_207, %concatenate3A_198 : vector<16x64xi1>, vector<16x64xf32>
      %select_n3A_209 = arith.select %lt3A_203, %get3A_179, %select_n3A_208 : vector<16x64xi1>, vector<16x64xf32>
      %lt3A_210 = vector.broadcast %broadcast_in_dim3A_195 : vector<1x64xi32> to vector<16x64xi32>
      %lt3A_211 = arith.cmpi slt, %iota3A_36, %lt3A_210 : vector<16x64xi32>
      %eq3A_212 = vector.broadcast %broadcast_in_dim3A_195 : vector<1x64xi32> to vector<16x64xi32>
      %eq3A_213 = arith.cmpi eq, %iota3A_36, %eq3A_212 : vector<16x64xi32>
      %broadcast_in_dim3A_214 = vector.shape_cast %add3A_176 : vector<1x64xi32> to vector<1x64xi32>
      %broadcast_in_dim3A_215 = vector.broadcast %broadcast_in_dim3A_214 : vector<1x64xi32> to vector<16x64xi32>
      %select_n3A_216 = arith.select %eq3A_213, %broadcast_in_dim3A_215, %concatenate3A_201 : vector<16x64xi1>, vector<16x64xi32>
      %select_n3A_217 = arith.select %lt3A_211, %get3A_182, %select_n3A_216 : vector<16x64xi1>, vector<16x64xi32>
      %jit3A_218 = arith.constant -1.000000e+00 : f32
      %broadcast_in_dim3A_219 = vector.broadcast %jit3A_218 : f32 to vector<16x64xf32>
      %select_n3A_220 = arith.select %lt3A_38, %select_n3A_209, %broadcast_in_dim3A_219 : vector<16x64xi1>, vector<16x64xf32>
      %swap3A_221 = arith.constant 0 : index
      %swap3A_222 = arith.constant 0 : index
      %swap3A_223 = vector.load %arg6[%swap3A_221, %swap3A_222] : memref<16x64xf32, #tpu.memory_space<vmem>>, vector<16x64xf32>
      tpu.vector_store %arg6[%swap3A_221, %swap3A_222], %select_n3A_220 {strides = array<i32>} : memref<16x64xf32, #tpu.memory_space<vmem>>, vector<16x64xf32>,
      %jit3A_224 = arith.constant 0 : i32
      %broadcast_in_dim3A_225 = vector.broadcast %jit3A_224 : i32 to vector<16x64xi32>
      %select_n3A_226 = arith.select %lt3A_38, %select_n3A_217, %broadcast_in_dim3A_225 : vector<16x64xi1>, vector<16x64xi32>
      %swap3A_227 = arith.constant 0 : index
      %swap3A_228 = arith.constant 0 : index
      %swap3A_229 = vector.load %arg7[%swap3A_227, %swap3A_228] : memref<16x64xi32, #tpu.memory_space<vmem>>, vector<16x64xi32>
      tpu.vector_store %arg7[%swap3A_227, %swap3A_228], %select_n3A_226 {strides = array<i32>} : memref<16x64xi32, #tpu.memory_space<vmem>>, vector<16x64xi32>,
    } else {
    }
    %gt3A_59 = arith.constant 4 : i32
    %gt3A_60 = arith.cmpi sgt, %reduce_max3A_35, %gt3A_59 : i32
    %convert_element_type3A_61 = arith.extui %gt3A_60 : i1 to i32
    %cond3A_62 = arith.constant 0 : i32
    %cond3A_63 = arith.cmpi ne, %convert_element_type3A_61, %cond3A_62 : i32
    scf.if %cond3A_63 {
      %get3A_94 = arith.constant 0 : index
      %get3A_95 = arith.constant 0 : index
      %get3A_96 = vector.load %arg8[%get3A_94, %get3A_95] : memref<512x128xf32, #tpu.memory_space<vmem>>, vector<512x128xf32>
      %reduce_max3A_97 = arith.constant dense<0xFF800000> : vector<128xf32>
      %reduce_max3A_98 = vector.multi_reduction <maximumf>, %get3A_96, %reduce_max3A_97 [0] : vector<512x128xf32> to vector<128xf32>
      %broadcast_in_dim3A_99 = vector.shape_cast %reduce_max3A_98 : vector<128xf32> to vector<1x128xf32>
      %eq3A_100 = vector.broadcast %broadcast_in_dim3A_99 : vector<1x128xf32> to vector<512x128xf32>
      %eq3A_101 = arith.cmpf oeq, %get3A_96, %eq3A_100 : vector<512x128xf32>
      %jit3A = arith.constant 512 : i32
      %broadcast_in_dim3A_102 = vector.broadcast %jit3A : i32 to vector<512x128xi32>
      %select_n3A = arith.select %eq3A_101, %iota3A, %broadcast_in_dim3A_102 : vector<512x128xi1>, vector<512x128xi32>
      %reduce_min3A = arith.constant dense<2147483647> : vector<128xi32>
      %reduce_min3A_103 = vector.multi_reduction <minsi>, %select_n3A, %reduce_min3A [0] : vector<512x128xi32> to vector<128xi32>
      %broadcast_in_dim3A_104 = vector.shape_cast %reduce_min3A_103 : vector<128xi32> to vector<1x128xi32>
      %eq3A_105 = vector.broadcast %broadcast_in_dim3A_104 : vector<1x128xi32> to vector<512x128xi32>
      %eq3A_106 = arith.cmpi eq, %iota3A, %eq3A_105 : vector<512x128xi32>
      %jit3A_107 = arith.constant -1.000000e+00 : f32
      %broadcast_in_dim3A_108 = vector.broadcast %jit3A_107 : f32 to vector<512x128xf32>
      %select_n3A_109 = arith.select %eq3A_106, %broadcast_in_dim3A_108, %get3A_96 : vector<512x128xi1>, vector<512x128xf32>
      %swap3A_110 = arith.constant 0 : index
      %swap3A_111 = arith.constant 0 : index
      %swap3A_112 = vector.load %arg8[%swap3A_110, %swap3A_111] : memref<512x128xf32, #tpu.memory_space<vmem>>, vector<512x128xf32>
      tpu.vector_store %arg8[%swap3A_110, %swap3A_111], %select_n3A_109 {strides = array<i32>} : memref<512x128xf32, #tpu.memory_space<vmem>>, vector<512x128xf32>,
      %mul3A = arith.constant 1024 : i32
      %mul3A_113 = arith.muli %arg0, %mul3A : i32
      %add3A_114 = vector.broadcast %mul3A_113 : i32 to vector<1x128xi32>
      %add3A_115 = arith.addi %add3A_114, %broadcast_in_dim3A_104 : vector<1x128xi32>
      %slice3A_116 = vector.extract_strided_slice %broadcast_in_dim3A_99 {offsets = [0, 0], sizes = [1, 64], strides = [1, 1]} : vector<1x128xf32> to vector<1x64xf32>
      %slice3A_117 = vector.extract_strided_slice %add3A_115 {offsets = [0, 0], sizes = [1, 64], strides = [1, 1]} : vector<1x128xi32> to vector<1x64xi32>
      %add3A_118 = arith.constant 0 : i32
      %add3A_119 = vector.broadcast %add3A_118 : i32 to vector<1x64xi32>
      %add3A_120 = arith.addi %slice3A_117, %add3A_119 : vector<1x64xi32>
      %get3A_121 = arith.constant 0 : index
      %get3A_122 = arith.constant 0 : index
      %get3A_123 = vector.load %arg6[%get3A_121, %get3A_122] : memref<16x64xf32, #tpu.memory_space<vmem>>, vector<16x64xf32>
      %get3A_124 = arith.constant 0 : index
      %get3A_125 = arith.constant 0 : index
      %get3A_126 = vector.load %arg7[%get3A_124, %get3A_125] : memref<16x64xi32, #tpu.memory_space<vmem>>, vector<16x64xi32>
      %gt3A_127 = vector.broadcast %slice3A_116 : vector<1x64xf32> to vector<16x64xf32>
      %gt3A_128 = arith.cmpf ogt, %get3A_123, %gt3A_127 : vector<16x64xf32>
      %eq3A_129 = vector.broadcast %slice3A_116 : vector<1x64xf32> to vector<16x64xf32>
      %eq3A_130 = arith.cmpf oeq, %get3A_123, %eq3A_129 : vector<16x64xf32>
      %lt3A_131 = vector.broadcast %add3A_120 : vector<1x64xi32> to vector<16x64xi32>
      %lt3A_132 = arith.cmpi slt, %get3A_126, %lt3A_131 : vector<16x64xi32>
      %and3A = arith.andi %eq3A_130, %lt3A_132 : vector<16x64xi1>
      %or3A = arith.ori %gt3A_128, %and3A : vector<16x64xi1>
      %and3A_133 = arith.andi %or3A, %lt3A_38 : vector<16x64xi1>
      %convert_element_type3A_134 = arith.extui %and3A_133 : vector<16x64xi1> to vector<16x64xi32>
      %reduce_sum3A_135 = arith.constant dense<0> : vector<64xi32>
      %reduce_sum3A_136 = vector.multi_reduction <add>, %convert_element_type3A_134, %reduce_sum3A_135 [0] : vector<16x64xi32> to vector<64xi32>
      %broadcast_in_dim3A_137 = vector.shape_cast %reduce_sum3A_136 : vector<64xi32> to vector<1x64xi32>
      %slice3A_138 = vector.extract_strided_slice %get3A_123 {offsets = [0, 0], sizes = [1, 64], strides = [1, 1]} : vector<16x64xf32> to vector<1x64xf32>
      %slice3A_139 = vector.extract_strided_slice %get3A_123 {offsets = [0, 0], sizes = [15, 64], strides = [1, 1]} : vector<16x64xf32> to vector<15x64xf32>
      %concatenate3A_140 = tpu.concatenate %slice3A_138, %slice3A_139 in 0 : vector<1x64xf32>, vector<15x64xf32> -> vector<16x64xf32>
      %slice3A_141 = vector.extract_strided_slice %get3A_126 {offsets = [0, 0], sizes = [1, 64], strides = [1, 1]} : vector<16x64xi32> to vector<1x64xi32>
      %slice3A_142 = vector.extract_strided_slice %get3A_126 {offsets = [0, 0], sizes = [15, 64], strides = [1, 1]} : vector<16x64xi32> to vector<15x64xi32>
      %concatenate3A_143 = tpu.concatenate %slice3A_141, %slice3A_142 in 0 : vector<1x64xi32>, vector<15x64xi32> -> vector<16x64xi32>
      %lt3A_144 = vector.broadcast %broadcast_in_dim3A_137 : vector<1x64xi32> to vector<16x64xi32>
      %lt3A_145 = arith.cmpi slt, %iota3A_36, %lt3A_144 : vector<16x64xi32>
      %eq3A_146 = vector.broadcast %broadcast_in_dim3A_137 : vector<1x64xi32> to vector<16x64xi32>
      %eq3A_147 = arith.cmpi eq, %iota3A_36, %eq3A_146 : vector<16x64xi32>
      %broadcast_in_dim3A_148 = vector.shape_cast %slice3A_116 : vector<1x64xf32> to vector<1x64xf32>
      %broadcast_in_dim3A_149 = vector.broadcast %broadcast_in_dim3A_148 : vector<1x64xf32> to vector<16x64xf32>
      %select_n3A_150 = arith.select %eq3A_147, %broadcast_in_dim3A_149, %concatenate3A_140 : vector<16x64xi1>, vector<16x64xf32>
      %select_n3A_151 = arith.select %lt3A_145, %get3A_123, %select_n3A_150 : vector<16x64xi1>, vector<16x64xf32>
      %lt3A_152 = vector.broadcast %broadcast_in_dim3A_137 : vector<1x64xi32> to vector<16x64xi32>
      %lt3A_153 = arith.cmpi slt, %iota3A_36, %lt3A_152 : vector<16x64xi32>
      %eq3A_154 = vector.broadcast %broadcast_in_dim3A_137 : vector<1x64xi32> to vector<16x64xi32>
      %eq3A_155 = arith.cmpi eq, %iota3A_36, %eq3A_154 : vector<16x64xi32>
      %broadcast_in_dim3A_156 = vector.shape_cast %add3A_120 : vector<1x64xi32> to vector<1x64xi32>
      %broadcast_in_dim3A_157 = vector.broadcast %broadcast_in_dim3A_156 : vector<1x64xi32> to vector<16x64xi32>
      %select_n3A_158 = arith.select %eq3A_155, %broadcast_in_dim3A_157, %concatenate3A_143 : vector<16x64xi1>, vector<16x64xi32>
      %select_n3A_159 = arith.select %lt3A_153, %get3A_126, %select_n3A_158 : vector<16x64xi1>, vector<16x64xi32>
      %jit3A_160 = arith.constant -1.000000e+00 : f32
      %broadcast_in_dim3A_161 = vector.broadcast %jit3A_160 : f32 to vector<16x64xf32>
      %select_n3A_162 = arith.select %lt3A_38, %select_n3A_151, %broadcast_in_dim3A_161 : vector<16x64xi1>, vector<16x64xf32>
      %swap3A_163 = arith.constant 0 : index
      %swap3A_164 = arith.constant 0 : index
      %swap3A_165 = vector.load %arg6[%swap3A_163, %swap3A_164] : memref<16x64xf32, #tpu.memory_space<vmem>>, vector<16x64xf32>
      tpu.vector_store %arg6[%swap3A_163, %swap3A_164], %select_n3A_162 {strides = array<i32>} : memref<16x64xf32, #tpu.memory_space<vmem>>, vector<16x64xf32>,
      %jit3A_166 = arith.constant 0 : i32
      %broadcast_in_dim3A_167 = vector.broadcast %jit3A_166 : i32 to vector<16x64xi32>
      %select_n3A_168 = arith.select %lt3A_38, %select_n3A_159, %broadcast_in_dim3A_167 : vector<16x64xi1>, vector<16x64xi32>
      %swap3A_169 = arith.constant 0 : index
      %swap3A_170 = arith.constant 0 : index
      %swap3A_171 = vector.load %arg7[%swap3A_169, %swap3A_170] : memref<16x64xi32, #tpu.memory_space<vmem>>, vector<16x64xi32>
      tpu.vector_store %arg7[%swap3A_169, %swap3A_170], %select_n3A_168 {strides = array<i32>} : memref<16x64xi32, #tpu.memory_space<vmem>>, vector<16x64xi32>,
      %slice3A_172 = vector.extract_strided_slice %broadcast_in_dim3A_99 {offsets = [0, 64], sizes = [1, 64], strides = [1, 1]} : vector<1x128xf32> to vector<1x64xf32>
      %slice3A_173 = vector.extract_strided_slice %add3A_115 {offsets = [0, 64], sizes = [1, 64], strides = [1, 1]} : vector<1x128xi32> to vector<1x64xi32>
      %add3A_174 = arith.constant 512 : i32
      %add3A_175 = vector.broadcast %add3A_174 : i32 to vector<1x64xi32>
      %add3A_176 = arith.addi %slice3A_173, %add3A_175 : vector<1x64xi32>
      %get3A_177 = arith.constant 0 : index
      %get3A_178 = arith.constant 0 : index
      %get3A_179 = vector.load %arg6[%get3A_177, %get3A_178] : memref<16x64xf32, #tpu.memory_space<vmem>>, vector<16x64xf32>
      %get3A_180 = arith.constant 0 : index
      %get3A_181 = arith.constant 0 : index
      %get3A_182 = vector.load %arg7[%get3A_180, %get3A_181] : memref<16x64xi32, #tpu.memory_space<vmem>>, vector<16x64xi32>
      %gt3A_183 = vector.broadcast %slice3A_172 : vector<1x64xf32> to vector<16x64xf32>
      %gt3A_184 = arith.cmpf ogt, %get3A_179, %gt3A_183 : vector<16x64xf32>
      %eq3A_185 = vector.broadcast %slice3A_172 : vector<1x64xf32> to vector<16x64xf32>
      %eq3A_186 = arith.cmpf oeq, %get3A_179, %eq3A_185 : vector<16x64xf32>
      %lt3A_187 = vector.broadcast %add3A_176 : vector<1x64xi32> to vector<16x64xi32>
      %lt3A_188 = arith.cmpi slt, %get3A_182, %lt3A_187 : vector<16x64xi32>
      %and3A_189 = arith.andi %eq3A_186, %lt3A_188 : vector<16x64xi1>
      %or3A_190 = arith.ori %gt3A_184, %and3A_189 : vector<16x64xi1>
      %and3A_191 = arith.andi %or3A_190, %lt3A_38 : vector<16x64xi1>
      %convert_element_type3A_192 = arith.extui %and3A_191 : vector<16x64xi1> to vector<16x64xi32>
      %reduce_sum3A_193 = arith.constant dense<0> : vector<64xi32>
      %reduce_sum3A_194 = vector.multi_reduction <add>, %convert_element_type3A_192, %reduce_sum3A_193 [0] : vector<16x64xi32> to vector<64xi32>
      %broadcast_in_dim3A_195 = vector.shape_cast %reduce_sum3A_194 : vector<64xi32> to vector<1x64xi32>
      %slice3A_196 = vector.extract_strided_slice %get3A_179 {offsets = [0, 0], sizes = [1, 64], strides = [1, 1]} : vector<16x64xf32> to vector<1x64xf32>
      %slice3A_197 = vector.extract_strided_slice %get3A_179 {offsets = [0, 0], sizes = [15, 64], strides = [1, 1]} : vector<16x64xf32> to vector<15x64xf32>
      %concatenate3A_198 = tpu.concatenate %slice3A_196, %slice3A_197 in 0 : vector<1x64xf32>, vector<15x64xf32> -> vector<16x64xf32>
      %slice3A_199 = vector.extract_strided_slice %get3A_182 {offsets = [0, 0], sizes = [1, 64], strides = [1, 1]} : vector<16x64xi32> to vector<1x64xi32>
      %slice3A_200 = vector.extract_strided_slice %get3A_182 {offsets = [0, 0], sizes = [15, 64], strides = [1, 1]} : vector<16x64xi32> to vector<15x64xi32>
      %concatenate3A_201 = tpu.concatenate %slice3A_199, %slice3A_200 in 0 : vector<1x64xi32>, vector<15x64xi32> -> vector<16x64xi32>
      %lt3A_202 = vector.broadcast %broadcast_in_dim3A_195 : vector<1x64xi32> to vector<16x64xi32>
      %lt3A_203 = arith.cmpi slt, %iota3A_36, %lt3A_202 : vector<16x64xi32>
      %eq3A_204 = vector.broadcast %broadcast_in_dim3A_195 : vector<1x64xi32> to vector<16x64xi32>
      %eq3A_205 = arith.cmpi eq, %iota3A_36, %eq3A_204 : vector<16x64xi32>
      %broadcast_in_dim3A_206 = vector.shape_cast %slice3A_172 : vector<1x64xf32> to vector<1x64xf32>
      %broadcast_in_dim3A_207 = vector.broadcast %broadcast_in_dim3A_206 : vector<1x64xf32> to vector<16x64xf32>
      %select_n3A_208 = arith.select %eq3A_205, %broadcast_in_dim3A_207, %concatenate3A_198 : vector<16x64xi1>, vector<16x64xf32>
      %select_n3A_209 = arith.select %lt3A_203, %get3A_179, %select_n3A_208 : vector<16x64xi1>, vector<16x64xf32>
      %lt3A_210 = vector.broadcast %broadcast_in_dim3A_195 : vector<1x64xi32> to vector<16x64xi32>
      %lt3A_211 = arith.cmpi slt, %iota3A_36, %lt3A_210 : vector<16x64xi32>
      %eq3A_212 = vector.broadcast %broadcast_in_dim3A_195 : vector<1x64xi32> to vector<16x64xi32>
      %eq3A_213 = arith.cmpi eq, %iota3A_36, %eq3A_212 : vector<16x64xi32>
      %broadcast_in_dim3A_214 = vector.shape_cast %add3A_176 : vector<1x64xi32> to vector<1x64xi32>
      %broadcast_in_dim3A_215 = vector.broadcast %broadcast_in_dim3A_214 : vector<1x64xi32> to vector<16x64xi32>
      %select_n3A_216 = arith.select %eq3A_213, %broadcast_in_dim3A_215, %concatenate3A_201 : vector<16x64xi1>, vector<16x64xi32>
      %select_n3A_217 = arith.select %lt3A_211, %get3A_182, %select_n3A_216 : vector<16x64xi1>, vector<16x64xi32>
      %jit3A_218 = arith.constant -1.000000e+00 : f32
      %broadcast_in_dim3A_219 = vector.broadcast %jit3A_218 : f32 to vector<16x64xf32>
      %select_n3A_220 = arith.select %lt3A_38, %select_n3A_209, %broadcast_in_dim3A_219 : vector<16x64xi1>, vector<16x64xf32>
      %swap3A_221 = arith.constant 0 : index
      %swap3A_222 = arith.constant 0 : index
      %swap3A_223 = vector.load %arg6[%swap3A_221, %swap3A_222] : memref<16x64xf32, #tpu.memory_space<vmem>>, vector<16x64xf32>
      tpu.vector_store %arg6[%swap3A_221, %swap3A_222], %select_n3A_220 {strides = array<i32>} : memref<16x64xf32, #tpu.memory_space<vmem>>, vector<16x64xf32>,
      %jit3A_224 = arith.constant 0 : i32
      %broadcast_in_dim3A_225 = vector.broadcast %jit3A_224 : i32 to vector<16x64xi32>
      %select_n3A_226 = arith.select %lt3A_38, %select_n3A_217, %broadcast_in_dim3A_225 : vector<16x64xi1>, vector<16x64xi32>
      %swap3A_227 = arith.constant 0 : index
      %swap3A_228 = arith.constant 0 : index
      %swap3A_229 = vector.load %arg7[%swap3A_227, %swap3A_228] : memref<16x64xi32, #tpu.memory_space<vmem>>, vector<16x64xi32>
      tpu.vector_store %arg7[%swap3A_227, %swap3A_228], %select_n3A_226 {strides = array<i32>} : memref<16x64xi32, #tpu.memory_space<vmem>>, vector<16x64xi32>,
    } else {
    }
    %gt3A_64 = arith.constant 5 : i32
    %gt3A_65 = arith.cmpi sgt, %reduce_max3A_35, %gt3A_64 : i32
    %convert_element_type3A_66 = arith.extui %gt3A_65 : i1 to i32
    %cond3A_67 = arith.constant 0 : i32
    %cond3A_68 = arith.cmpi ne, %convert_element_type3A_66, %cond3A_67 : i32
    scf.if %cond3A_68 {
      %get3A_94 = arith.constant 0 : index
      %get3A_95 = arith.constant 0 : index
      %get3A_96 = vector.load %arg8[%get3A_94, %get3A_95] : memref<512x128xf32, #tpu.memory_space<vmem>>, vector<512x128xf32>
      %reduce_max3A_97 = arith.constant dense<0xFF800000> : vector<128xf32>
      %reduce_max3A_98 = vector.multi_reduction <maximumf>, %get3A_96, %reduce_max3A_97 [0] : vector<512x128xf32> to vector<128xf32>
      %broadcast_in_dim3A_99 = vector.shape_cast %reduce_max3A_98 : vector<128xf32> to vector<1x128xf32>
      %eq3A_100 = vector.broadcast %broadcast_in_dim3A_99 : vector<1x128xf32> to vector<512x128xf32>
      %eq3A_101 = arith.cmpf oeq, %get3A_96, %eq3A_100 : vector<512x128xf32>
      %jit3A = arith.constant 512 : i32
      %broadcast_in_dim3A_102 = vector.broadcast %jit3A : i32 to vector<512x128xi32>
      %select_n3A = arith.select %eq3A_101, %iota3A, %broadcast_in_dim3A_102 : vector<512x128xi1>, vector<512x128xi32>
      %reduce_min3A = arith.constant dense<2147483647> : vector<128xi32>
      %reduce_min3A_103 = vector.multi_reduction <minsi>, %select_n3A, %reduce_min3A [0] : vector<512x128xi32> to vector<128xi32>
      %broadcast_in_dim3A_104 = vector.shape_cast %reduce_min3A_103 : vector<128xi32> to vector<1x128xi32>
      %eq3A_105 = vector.broadcast %broadcast_in_dim3A_104 : vector<1x128xi32> to vector<512x128xi32>
      %eq3A_106 = arith.cmpi eq, %iota3A, %eq3A_105 : vector<512x128xi32>
      %jit3A_107 = arith.constant -1.000000e+00 : f32
      %broadcast_in_dim3A_108 = vector.broadcast %jit3A_107 : f32 to vector<512x128xf32>
      %select_n3A_109 = arith.select %eq3A_106, %broadcast_in_dim3A_108, %get3A_96 : vector<512x128xi1>, vector<512x128xf32>
      %swap3A_110 = arith.constant 0 : index
      %swap3A_111 = arith.constant 0 : index
      %swap3A_112 = vector.load %arg8[%swap3A_110, %swap3A_111] : memref<512x128xf32, #tpu.memory_space<vmem>>, vector<512x128xf32>
      tpu.vector_store %arg8[%swap3A_110, %swap3A_111], %select_n3A_109 {strides = array<i32>} : memref<512x128xf32, #tpu.memory_space<vmem>>, vector<512x128xf32>,
      %mul3A = arith.constant 1024 : i32
      %mul3A_113 = arith.muli %arg0, %mul3A : i32
      %add3A_114 = vector.broadcast %mul3A_113 : i32 to vector<1x128xi32>
      %add3A_115 = arith.addi %add3A_114, %broadcast_in_dim3A_104 : vector<1x128xi32>
      %slice3A_116 = vector.extract_strided_slice %broadcast_in_dim3A_99 {offsets = [0, 0], sizes = [1, 64], strides = [1, 1]} : vector<1x128xf32> to vector<1x64xf32>
      %slice3A_117 = vector.extract_strided_slice %add3A_115 {offsets = [0, 0], sizes = [1, 64], strides = [1, 1]} : vector<1x128xi32> to vector<1x64xi32>
      %add3A_118 = arith.constant 0 : i32
      %add3A_119 = vector.broadcast %add3A_118 : i32 to vector<1x64xi32>
      %add3A_120 = arith.addi %slice3A_117, %add3A_119 : vector<1x64xi32>
      %get3A_121 = arith.constant 0 : index
      %get3A_122 = arith.constant 0 : index
      %get3A_123 = vector.load %arg6[%get3A_121, %get3A_122] : memref<16x64xf32, #tpu.memory_space<vmem>>, vector<16x64xf32>
      %get3A_124 = arith.constant 0 : index
      %get3A_125 = arith.constant 0 : index
      %get3A_126 = vector.load %arg7[%get3A_124, %get3A_125] : memref<16x64xi32, #tpu.memory_space<vmem>>, vector<16x64xi32>
      %gt3A_127 = vector.broadcast %slice3A_116 : vector<1x64xf32> to vector<16x64xf32>
      %gt3A_128 = arith.cmpf ogt, %get3A_123, %gt3A_127 : vector<16x64xf32>
      %eq3A_129 = vector.broadcast %slice3A_116 : vector<1x64xf32> to vector<16x64xf32>
      %eq3A_130 = arith.cmpf oeq, %get3A_123, %eq3A_129 : vector<16x64xf32>
      %lt3A_131 = vector.broadcast %add3A_120 : vector<1x64xi32> to vector<16x64xi32>
      %lt3A_132 = arith.cmpi slt, %get3A_126, %lt3A_131 : vector<16x64xi32>
      %and3A = arith.andi %eq3A_130, %lt3A_132 : vector<16x64xi1>
      %or3A = arith.ori %gt3A_128, %and3A : vector<16x64xi1>
      %and3A_133 = arith.andi %or3A, %lt3A_38 : vector<16x64xi1>
      %convert_element_type3A_134 = arith.extui %and3A_133 : vector<16x64xi1> to vector<16x64xi32>
      %reduce_sum3A_135 = arith.constant dense<0> : vector<64xi32>
      %reduce_sum3A_136 = vector.multi_reduction <add>, %convert_element_type3A_134, %reduce_sum3A_135 [0] : vector<16x64xi32> to vector<64xi32>
      %broadcast_in_dim3A_137 = vector.shape_cast %reduce_sum3A_136 : vector<64xi32> to vector<1x64xi32>
      %slice3A_138 = vector.extract_strided_slice %get3A_123 {offsets = [0, 0], sizes = [1, 64], strides = [1, 1]} : vector<16x64xf32> to vector<1x64xf32>
      %slice3A_139 = vector.extract_strided_slice %get3A_123 {offsets = [0, 0], sizes = [15, 64], strides = [1, 1]} : vector<16x64xf32> to vector<15x64xf32>
      %concatenate3A_140 = tpu.concatenate %slice3A_138, %slice3A_139 in 0 : vector<1x64xf32>, vector<15x64xf32> -> vector<16x64xf32>
      %slice3A_141 = vector.extract_strided_slice %get3A_126 {offsets = [0, 0], sizes = [1, 64], strides = [1, 1]} : vector<16x64xi32> to vector<1x64xi32>
      %slice3A_142 = vector.extract_strided_slice %get3A_126 {offsets = [0, 0], sizes = [15, 64], strides = [1, 1]} : vector<16x64xi32> to vector<15x64xi32>
      %concatenate3A_143 = tpu.concatenate %slice3A_141, %slice3A_142 in 0 : vector<1x64xi32>, vector<15x64xi32> -> vector<16x64xi32>
      %lt3A_144 = vector.broadcast %broadcast_in_dim3A_137 : vector<1x64xi32> to vector<16x64xi32>
      %lt3A_145 = arith.cmpi slt, %iota3A_36, %lt3A_144 : vector<16x64xi32>
      %eq3A_146 = vector.broadcast %broadcast_in_dim3A_137 : vector<1x64xi32> to vector<16x64xi32>
      %eq3A_147 = arith.cmpi eq, %iota3A_36, %eq3A_146 : vector<16x64xi32>
      %broadcast_in_dim3A_148 = vector.shape_cast %slice3A_116 : vector<1x64xf32> to vector<1x64xf32>
      %broadcast_in_dim3A_149 = vector.broadcast %broadcast_in_dim3A_148 : vector<1x64xf32> to vector<16x64xf32>
      %select_n3A_150 = arith.select %eq3A_147, %broadcast_in_dim3A_149, %concatenate3A_140 : vector<16x64xi1>, vector<16x64xf32>
      %select_n3A_151 = arith.select %lt3A_145, %get3A_123, %select_n3A_150 : vector<16x64xi1>, vector<16x64xf32>
      %lt3A_152 = vector.broadcast %broadcast_in_dim3A_137 : vector<1x64xi32> to vector<16x64xi32>
      %lt3A_153 = arith.cmpi slt, %iota3A_36, %lt3A_152 : vector<16x64xi32>
      %eq3A_154 = vector.broadcast %broadcast_in_dim3A_137 : vector<1x64xi32> to vector<16x64xi32>
      %eq3A_155 = arith.cmpi eq, %iota3A_36, %eq3A_154 : vector<16x64xi32>
      %broadcast_in_dim3A_156 = vector.shape_cast %add3A_120 : vector<1x64xi32> to vector<1x64xi32>
      %broadcast_in_dim3A_157 = vector.broadcast %broadcast_in_dim3A_156 : vector<1x64xi32> to vector<16x64xi32>
      %select_n3A_158 = arith.select %eq3A_155, %broadcast_in_dim3A_157, %concatenate3A_143 : vector<16x64xi1>, vector<16x64xi32>
      %select_n3A_159 = arith.select %lt3A_153, %get3A_126, %select_n3A_158 : vector<16x64xi1>, vector<16x64xi32>
      %jit3A_160 = arith.constant -1.000000e+00 : f32
      %broadcast_in_dim3A_161 = vector.broadcast %jit3A_160 : f32 to vector<16x64xf32>
      %select_n3A_162 = arith.select %lt3A_38, %select_n3A_151, %broadcast_in_dim3A_161 : vector<16x64xi1>, vector<16x64xf32>
      %swap3A_163 = arith.constant 0 : index
      %swap3A_164 = arith.constant 0 : index
      %swap3A_165 = vector.load %arg6[%swap3A_163, %swap3A_164] : memref<16x64xf32, #tpu.memory_space<vmem>>, vector<16x64xf32>
      tpu.vector_store %arg6[%swap3A_163, %swap3A_164], %select_n3A_162 {strides = array<i32>} : memref<16x64xf32, #tpu.memory_space<vmem>>, vector<16x64xf32>,
      %jit3A_166 = arith.constant 0 : i32
      %broadcast_in_dim3A_167 = vector.broadcast %jit3A_166 : i32 to vector<16x64xi32>
      %select_n3A_168 = arith.select %lt3A_38, %select_n3A_159, %broadcast_in_dim3A_167 : vector<16x64xi1>, vector<16x64xi32>
      %swap3A_169 = arith.constant 0 : index
      %swap3A_170 = arith.constant 0 : index
      %swap3A_171 = vector.load %arg7[%swap3A_169, %swap3A_170] : memref<16x64xi32, #tpu.memory_space<vmem>>, vector<16x64xi32>
      tpu.vector_store %arg7[%swap3A_169, %swap3A_170], %select_n3A_168 {strides = array<i32>} : memref<16x64xi32, #tpu.memory_space<vmem>>, vector<16x64xi32>,
      %slice3A_172 = vector.extract_strided_slice %broadcast_in_dim3A_99 {offsets = [0, 64], sizes = [1, 64], strides = [1, 1]} : vector<1x128xf32> to vector<1x64xf32>
      %slice3A_173 = vector.extract_strided_slice %add3A_115 {offsets = [0, 64], sizes = [1, 64], strides = [1, 1]} : vector<1x128xi32> to vector<1x64xi32>
      %add3A_174 = arith.constant 512 : i32
      %add3A_175 = vector.broadcast %add3A_174 : i32 to vector<1x64xi32>
      %add3A_176 = arith.addi %slice3A_173, %add3A_175 : vector<1x64xi32>
      %get3A_177 = arith.constant 0 : index
      %get3A_178 = arith.constant 0 : index
      %get3A_179 = vector.load %arg6[%get3A_177, %get3A_178] : memref<16x64xf32, #tpu.memory_space<vmem>>, vector<16x64xf32>
      %get3A_180 = arith.constant 0 : index
      %get3A_181 = arith.constant 0 : index
      %get3A_182 = vector.load %arg7[%get3A_180, %get3A_181] : memref<16x64xi32, #tpu.memory_space<vmem>>, vector<16x64xi32>
      %gt3A_183 = vector.broadcast %slice3A_172 : vector<1x64xf32> to vector<16x64xf32>
      %gt3A_184 = arith.cmpf ogt, %get3A_179, %gt3A_183 : vector<16x64xf32>
      %eq3A_185 = vector.broadcast %slice3A_172 : vector<1x64xf32> to vector<16x64xf32>
      %eq3A_186 = arith.cmpf oeq, %get3A_179, %eq3A_185 : vector<16x64xf32>
      %lt3A_187 = vector.broadcast %add3A_176 : vector<1x64xi32> to vector<16x64xi32>
      %lt3A_188 = arith.cmpi slt, %get3A_182, %lt3A_187 : vector<16x64xi32>
      %and3A_189 = arith.andi %eq3A_186, %lt3A_188 : vector<16x64xi1>
      %or3A_190 = arith.ori %gt3A_184, %and3A_189 : vector<16x64xi1>
      %and3A_191 = arith.andi %or3A_190, %lt3A_38 : vector<16x64xi1>
      %convert_element_type3A_192 = arith.extui %and3A_191 : vector<16x64xi1> to vector<16x64xi32>
      %reduce_sum3A_193 = arith.constant dense<0> : vector<64xi32>
      %reduce_sum3A_194 = vector.multi_reduction <add>, %convert_element_type3A_192, %reduce_sum3A_193 [0] : vector<16x64xi32> to vector<64xi32>
      %broadcast_in_dim3A_195 = vector.shape_cast %reduce_sum3A_194 : vector<64xi32> to vector<1x64xi32>
      %slice3A_196 = vector.extract_strided_slice %get3A_179 {offsets = [0, 0], sizes = [1, 64], strides = [1, 1]} : vector<16x64xf32> to vector<1x64xf32>
      %slice3A_197 = vector.extract_strided_slice %get3A_179 {offsets = [0, 0], sizes = [15, 64], strides = [1, 1]} : vector<16x64xf32> to vector<15x64xf32>
      %concatenate3A_198 = tpu.concatenate %slice3A_196, %slice3A_197 in 0 : vector<1x64xf32>, vector<15x64xf32> -> vector<16x64xf32>
      %slice3A_199 = vector.extract_strided_slice %get3A_182 {offsets = [0, 0], sizes = [1, 64], strides = [1, 1]} : vector<16x64xi32> to vector<1x64xi32>
      %slice3A_200 = vector.extract_strided_slice %get3A_182 {offsets = [0, 0], sizes = [15, 64], strides = [1, 1]} : vector<16x64xi32> to vector<15x64xi32>
      %concatenate3A_201 = tpu.concatenate %slice3A_199, %slice3A_200 in 0 : vector<1x64xi32>, vector<15x64xi32> -> vector<16x64xi32>
      %lt3A_202 = vector.broadcast %broadcast_in_dim3A_195 : vector<1x64xi32> to vector<16x64xi32>
      %lt3A_203 = arith.cmpi slt, %iota3A_36, %lt3A_202 : vector<16x64xi32>
      %eq3A_204 = vector.broadcast %broadcast_in_dim3A_195 : vector<1x64xi32> to vector<16x64xi32>
      %eq3A_205 = arith.cmpi eq, %iota3A_36, %eq3A_204 : vector<16x64xi32>
      %broadcast_in_dim3A_206 = vector.shape_cast %slice3A_172 : vector<1x64xf32> to vector<1x64xf32>
      %broadcast_in_dim3A_207 = vector.broadcast %broadcast_in_dim3A_206 : vector<1x64xf32> to vector<16x64xf32>
      %select_n3A_208 = arith.select %eq3A_205, %broadcast_in_dim3A_207, %concatenate3A_198 : vector<16x64xi1>, vector<16x64xf32>
      %select_n3A_209 = arith.select %lt3A_203, %get3A_179, %select_n3A_208 : vector<16x64xi1>, vector<16x64xf32>
      %lt3A_210 = vector.broadcast %broadcast_in_dim3A_195 : vector<1x64xi32> to vector<16x64xi32>
      %lt3A_211 = arith.cmpi slt, %iota3A_36, %lt3A_210 : vector<16x64xi32>
      %eq3A_212 = vector.broadcast %broadcast_in_dim3A_195 : vector<1x64xi32> to vector<16x64xi32>
      %eq3A_213 = arith.cmpi eq, %iota3A_36, %eq3A_212 : vector<16x64xi32>
      %broadcast_in_dim3A_214 = vector.shape_cast %add3A_176 : vector<1x64xi32> to vector<1x64xi32>
      %broadcast_in_dim3A_215 = vector.broadcast %broadcast_in_dim3A_214 : vector<1x64xi32> to vector<16x64xi32>
      %select_n3A_216 = arith.select %eq3A_213, %broadcast_in_dim3A_215, %concatenate3A_201 : vector<16x64xi1>, vector<16x64xi32>
      %select_n3A_217 = arith.select %lt3A_211, %get3A_182, %select_n3A_216 : vector<16x64xi1>, vector<16x64xi32>
      %jit3A_218 = arith.constant -1.000000e+00 : f32
      %broadcast_in_dim3A_219 = vector.broadcast %jit3A_218 : f32 to vector<16x64xf32>
      %select_n3A_220 = arith.select %lt3A_38, %select_n3A_209, %broadcast_in_dim3A_219 : vector<16x64xi1>, vector<16x64xf32>
      %swap3A_221 = arith.constant 0 : index
      %swap3A_222 = arith.constant 0 : index
      %swap3A_223 = vector.load %arg6[%swap3A_221, %swap3A_222] : memref<16x64xf32, #tpu.memory_space<vmem>>, vector<16x64xf32>
      tpu.vector_store %arg6[%swap3A_221, %swap3A_222], %select_n3A_220 {strides = array<i32>} : memref<16x64xf32, #tpu.memory_space<vmem>>, vector<16x64xf32>,
      %jit3A_224 = arith.constant 0 : i32
      %broadcast_in_dim3A_225 = vector.broadcast %jit3A_224 : i32 to vector<16x64xi32>
      %select_n3A_226 = arith.select %lt3A_38, %select_n3A_217, %broadcast_in_dim3A_225 : vector<16x64xi1>, vector<16x64xi32>
      %swap3A_227 = arith.constant 0 : index
      %swap3A_228 = arith.constant 0 : index
      %swap3A_229 = vector.load %arg7[%swap3A_227, %swap3A_228] : memref<16x64xi32, #tpu.memory_space<vmem>>, vector<16x64xi32>
      tpu.vector_store %arg7[%swap3A_227, %swap3A_228], %select_n3A_226 {strides = array<i32>} : memref<16x64xi32, #tpu.memory_space<vmem>>, vector<16x64xi32>,
    } else {
    }
    %gt3A_69 = arith.constant 6 : i32
    %gt3A_70 = arith.cmpi sgt, %reduce_max3A_35, %gt3A_69 : i32
    %convert_element_type3A_71 = arith.extui %gt3A_70 : i1 to i32
    %cond3A_72 = arith.constant 0 : i32
    %cond3A_73 = arith.cmpi ne, %convert_element_type3A_71, %cond3A_72 : i32
    scf.if %cond3A_73 {
      %get3A_94 = arith.constant 0 : index
      %get3A_95 = arith.constant 0 : index
      %get3A_96 = vector.load %arg8[%get3A_94, %get3A_95] : memref<512x128xf32, #tpu.memory_space<vmem>>, vector<512x128xf32>
      %reduce_max3A_97 = arith.constant dense<0xFF800000> : vector<128xf32>
      %reduce_max3A_98 = vector.multi_reduction <maximumf>, %get3A_96, %reduce_max3A_97 [0] : vector<512x128xf32> to vector<128xf32>
      %broadcast_in_dim3A_99 = vector.shape_cast %reduce_max3A_98 : vector<128xf32> to vector<1x128xf32>
      %eq3A_100 = vector.broadcast %broadcast_in_dim3A_99 : vector<1x128xf32> to vector<512x128xf32>
      %eq3A_101 = arith.cmpf oeq, %get3A_96, %eq3A_100 : vector<512x128xf32>
      %jit3A = arith.constant 512 : i32
      %broadcast_in_dim3A_102 = vector.broadcast %jit3A : i32 to vector<512x128xi32>
      %select_n3A = arith.select %eq3A_101, %iota3A, %broadcast_in_dim3A_102 : vector<512x128xi1>, vector<512x128xi32>
      %reduce_min3A = arith.constant dense<2147483647> : vector<128xi32>
      %reduce_min3A_103 = vector.multi_reduction <minsi>, %select_n3A, %reduce_min3A [0] : vector<512x128xi32> to vector<128xi32>
      %broadcast_in_dim3A_104 = vector.shape_cast %reduce_min3A_103 : vector<128xi32> to vector<1x128xi32>
      %eq3A_105 = vector.broadcast %broadcast_in_dim3A_104 : vector<1x128xi32> to vector<512x128xi32>
      %eq3A_106 = arith.cmpi eq, %iota3A, %eq3A_105 : vector<512x128xi32>
      %jit3A_107 = arith.constant -1.000000e+00 : f32
      %broadcast_in_dim3A_108 = vector.broadcast %jit3A_107 : f32 to vector<512x128xf32>
      %select_n3A_109 = arith.select %eq3A_106, %broadcast_in_dim3A_108, %get3A_96 : vector<512x128xi1>, vector<512x128xf32>
      %swap3A_110 = arith.constant 0 : index
      %swap3A_111 = arith.constant 0 : index
      %swap3A_112 = vector.load %arg8[%swap3A_110, %swap3A_111] : memref<512x128xf32, #tpu.memory_space<vmem>>, vector<512x128xf32>
      tpu.vector_store %arg8[%swap3A_110, %swap3A_111], %select_n3A_109 {strides = array<i32>} : memref<512x128xf32, #tpu.memory_space<vmem>>, vector<512x128xf32>,
      %mul3A = arith.constant 1024 : i32
      %mul3A_113 = arith.muli %arg0, %mul3A : i32
      %add3A_114 = vector.broadcast %mul3A_113 : i32 to vector<1x128xi32>
      %add3A_115 = arith.addi %add3A_114, %broadcast_in_dim3A_104 : vector<1x128xi32>
      %slice3A_116 = vector.extract_strided_slice %broadcast_in_dim3A_99 {offsets = [0, 0], sizes = [1, 64], strides = [1, 1]} : vector<1x128xf32> to vector<1x64xf32>
      %slice3A_117 = vector.extract_strided_slice %add3A_115 {offsets = [0, 0], sizes = [1, 64], strides = [1, 1]} : vector<1x128xi32> to vector<1x64xi32>
      %add3A_118 = arith.constant 0 : i32
      %add3A_119 = vector.broadcast %add3A_118 : i32 to vector<1x64xi32>
      %add3A_120 = arith.addi %slice3A_117, %add3A_119 : vector<1x64xi32>
      %get3A_121 = arith.constant 0 : index
      %get3A_122 = arith.constant 0 : index
      %get3A_123 = vector.load %arg6[%get3A_121, %get3A_122] : memref<16x64xf32, #tpu.memory_space<vmem>>, vector<16x64xf32>
      %get3A_124 = arith.constant 0 : index
      %get3A_125 = arith.constant 0 : index
      %get3A_126 = vector.load %arg7[%get3A_124, %get3A_125] : memref<16x64xi32, #tpu.memory_space<vmem>>, vector<16x64xi32>
      %gt3A_127 = vector.broadcast %slice3A_116 : vector<1x64xf32> to vector<16x64xf32>
      %gt3A_128 = arith.cmpf ogt, %get3A_123, %gt3A_127 : vector<16x64xf32>
      %eq3A_129 = vector.broadcast %slice3A_116 : vector<1x64xf32> to vector<16x64xf32>
      %eq3A_130 = arith.cmpf oeq, %get3A_123, %eq3A_129 : vector<16x64xf32>
      %lt3A_131 = vector.broadcast %add3A_120 : vector<1x64xi32> to vector<16x64xi32>
      %lt3A_132 = arith.cmpi slt, %get3A_126, %lt3A_131 : vector<16x64xi32>
      %and3A = arith.andi %eq3A_130, %lt3A_132 : vector<16x64xi1>
      %or3A = arith.ori %gt3A_128, %and3A : vector<16x64xi1>
      %and3A_133 = arith.andi %or3A, %lt3A_38 : vector<16x64xi1>
      %convert_element_type3A_134 = arith.extui %and3A_133 : vector<16x64xi1> to vector<16x64xi32>
      %reduce_sum3A_135 = arith.constant dense<0> : vector<64xi32>
      %reduce_sum3A_136 = vector.multi_reduction <add>, %convert_element_type3A_134, %reduce_sum3A_135 [0] : vector<16x64xi32> to vector<64xi32>
      %broadcast_in_dim3A_137 = vector.shape_cast %reduce_sum3A_136 : vector<64xi32> to vector<1x64xi32>
      %slice3A_138 = vector.extract_strided_slice %get3A_123 {offsets = [0, 0], sizes = [1, 64], strides = [1, 1]} : vector<16x64xf32> to vector<1x64xf32>
      %slice3A_139 = vector.extract_strided_slice %get3A_123 {offsets = [0, 0], sizes = [15, 64], strides = [1, 1]} : vector<16x64xf32> to vector<15x64xf32>
      %concatenate3A_140 = tpu.concatenate %slice3A_138, %slice3A_139 in 0 : vector<1x64xf32>, vector<15x64xf32> -> vector<16x64xf32>
      %slice3A_141 = vector.extract_strided_slice %get3A_126 {offsets = [0, 0], sizes = [1, 64], strides = [1, 1]} : vector<16x64xi32> to vector<1x64xi32>
      %slice3A_142 = vector.extract_strided_slice %get3A_126 {offsets = [0, 0], sizes = [15, 64], strides = [1, 1]} : vector<16x64xi32> to vector<15x64xi32>
      %concatenate3A_143 = tpu.concatenate %slice3A_141, %slice3A_142 in 0 : vector<1x64xi32>, vector<15x64xi32> -> vector<16x64xi32>
      %lt3A_144 = vector.broadcast %broadcast_in_dim3A_137 : vector<1x64xi32> to vector<16x64xi32>
      %lt3A_145 = arith.cmpi slt, %iota3A_36, %lt3A_144 : vector<16x64xi32>
      %eq3A_146 = vector.broadcast %broadcast_in_dim3A_137 : vector<1x64xi32> to vector<16x64xi32>
      %eq3A_147 = arith.cmpi eq, %iota3A_36, %eq3A_146 : vector<16x64xi32>
      %broadcast_in_dim3A_148 = vector.shape_cast %slice3A_116 : vector<1x64xf32> to vector<1x64xf32>
      %broadcast_in_dim3A_149 = vector.broadcast %broadcast_in_dim3A_148 : vector<1x64xf32> to vector<16x64xf32>
      %select_n3A_150 = arith.select %eq3A_147, %broadcast_in_dim3A_149, %concatenate3A_140 : vector<16x64xi1>, vector<16x64xf32>
      %select_n3A_151 = arith.select %lt3A_145, %get3A_123, %select_n3A_150 : vector<16x64xi1>, vector<16x64xf32>
      %lt3A_152 = vector.broadcast %broadcast_in_dim3A_137 : vector<1x64xi32> to vector<16x64xi32>
      %lt3A_153 = arith.cmpi slt, %iota3A_36, %lt3A_152 : vector<16x64xi32>
      %eq3A_154 = vector.broadcast %broadcast_in_dim3A_137 : vector<1x64xi32> to vector<16x64xi32>
      %eq3A_155 = arith.cmpi eq, %iota3A_36, %eq3A_154 : vector<16x64xi32>
      %broadcast_in_dim3A_156 = vector.shape_cast %add3A_120 : vector<1x64xi32> to vector<1x64xi32>
      %broadcast_in_dim3A_157 = vector.broadcast %broadcast_in_dim3A_156 : vector<1x64xi32> to vector<16x64xi32>
      %select_n3A_158 = arith.select %eq3A_155, %broadcast_in_dim3A_157, %concatenate3A_143 : vector<16x64xi1>, vector<16x64xi32>
      %select_n3A_159 = arith.select %lt3A_153, %get3A_126, %select_n3A_158 : vector<16x64xi1>, vector<16x64xi32>
      %jit3A_160 = arith.constant -1.000000e+00 : f32
      %broadcast_in_dim3A_161 = vector.broadcast %jit3A_160 : f32 to vector<16x64xf32>
      %select_n3A_162 = arith.select %lt3A_38, %select_n3A_151, %broadcast_in_dim3A_161 : vector<16x64xi1>, vector<16x64xf32>
      %swap3A_163 = arith.constant 0 : index
      %swap3A_164 = arith.constant 0 : index
      %swap3A_165 = vector.load %arg6[%swap3A_163, %swap3A_164] : memref<16x64xf32, #tpu.memory_space<vmem>>, vector<16x64xf32>
      tpu.vector_store %arg6[%swap3A_163, %swap3A_164], %select_n3A_162 {strides = array<i32>} : memref<16x64xf32, #tpu.memory_space<vmem>>, vector<16x64xf32>,
      %jit3A_166 = arith.constant 0 : i32
      %broadcast_in_dim3A_167 = vector.broadcast %jit3A_166 : i32 to vector<16x64xi32>
      %select_n3A_168 = arith.select %lt3A_38, %select_n3A_159, %broadcast_in_dim3A_167 : vector<16x64xi1>, vector<16x64xi32>
      %swap3A_169 = arith.constant 0 : index
      %swap3A_170 = arith.constant 0 : index
      %swap3A_171 = vector.load %arg7[%swap3A_169, %swap3A_170] : memref<16x64xi32, #tpu.memory_space<vmem>>, vector<16x64xi32>
      tpu.vector_store %arg7[%swap3A_169, %swap3A_170], %select_n3A_168 {strides = array<i32>} : memref<16x64xi32, #tpu.memory_space<vmem>>, vector<16x64xi32>,
      %slice3A_172 = vector.extract_strided_slice %broadcast_in_dim3A_99 {offsets = [0, 64], sizes = [1, 64], strides = [1, 1]} : vector<1x128xf32> to vector<1x64xf32>
      %slice3A_173 = vector.extract_strided_slice %add3A_115 {offsets = [0, 64], sizes = [1, 64], strides = [1, 1]} : vector<1x128xi32> to vector<1x64xi32>
      %add3A_174 = arith.constant 512 : i32
      %add3A_175 = vector.broadcast %add3A_174 : i32 to vector<1x64xi32>
      %add3A_176 = arith.addi %slice3A_173, %add3A_175 : vector<1x64xi32>
      %get3A_177 = arith.constant 0 : index
      %get3A_178 = arith.constant 0 : index
      %get3A_179 = vector.load %arg6[%get3A_177, %get3A_178] : memref<16x64xf32, #tpu.memory_space<vmem>>, vector<16x64xf32>
      %get3A_180 = arith.constant 0 : index
      %get3A_181 = arith.constant 0 : index
      %get3A_182 = vector.load %arg7[%get3A_180, %get3A_181] : memref<16x64xi32, #tpu.memory_space<vmem>>, vector<16x64xi32>
      %gt3A_183 = vector.broadcast %slice3A_172 : vector<1x64xf32> to vector<16x64xf32>
      %gt3A_184 = arith.cmpf ogt, %get3A_179, %gt3A_183 : vector<16x64xf32>
      %eq3A_185 = vector.broadcast %slice3A_172 : vector<1x64xf32> to vector<16x64xf32>
      %eq3A_186 = arith.cmpf oeq, %get3A_179, %eq3A_185 : vector<16x64xf32>
      %lt3A_187 = vector.broadcast %add3A_176 : vector<1x64xi32> to vector<16x64xi32>
      %lt3A_188 = arith.cmpi slt, %get3A_182, %lt3A_187 : vector<16x64xi32>
      %and3A_189 = arith.andi %eq3A_186, %lt3A_188 : vector<16x64xi1>
      %or3A_190 = arith.ori %gt3A_184, %and3A_189 : vector<16x64xi1>
      %and3A_191 = arith.andi %or3A_190, %lt3A_38 : vector<16x64xi1>
      %convert_element_type3A_192 = arith.extui %and3A_191 : vector<16x64xi1> to vector<16x64xi32>
      %reduce_sum3A_193 = arith.constant dense<0> : vector<64xi32>
      %reduce_sum3A_194 = vector.multi_reduction <add>, %convert_element_type3A_192, %reduce_sum3A_193 [0] : vector<16x64xi32> to vector<64xi32>
      %broadcast_in_dim3A_195 = vector.shape_cast %reduce_sum3A_194 : vector<64xi32> to vector<1x64xi32>
      %slice3A_196 = vector.extract_strided_slice %get3A_179 {offsets = [0, 0], sizes = [1, 64], strides = [1, 1]} : vector<16x64xf32> to vector<1x64xf32>
      %slice3A_197 = vector.extract_strided_slice %get3A_179 {offsets = [0, 0], sizes = [15, 64], strides = [1, 1]} : vector<16x64xf32> to vector<15x64xf32>
      %concatenate3A_198 = tpu.concatenate %slice3A_196, %slice3A_197 in 0 : vector<1x64xf32>, vector<15x64xf32> -> vector<16x64xf32>
      %slice3A_199 = vector.extract_strided_slice %get3A_182 {offsets = [0, 0], sizes = [1, 64], strides = [1, 1]} : vector<16x64xi32> to vector<1x64xi32>
      %slice3A_200 = vector.extract_strided_slice %get3A_182 {offsets = [0, 0], sizes = [15, 64], strides = [1, 1]} : vector<16x64xi32> to vector<15x64xi32>
      %concatenate3A_201 = tpu.concatenate %slice3A_199, %slice3A_200 in 0 : vector<1x64xi32>, vector<15x64xi32> -> vector<16x64xi32>
      %lt3A_202 = vector.broadcast %broadcast_in_dim3A_195 : vector<1x64xi32> to vector<16x64xi32>
      %lt3A_203 = arith.cmpi slt, %iota3A_36, %lt3A_202 : vector<16x64xi32>
      %eq3A_204 = vector.broadcast %broadcast_in_dim3A_195 : vector<1x64xi32> to vector<16x64xi32>
      %eq3A_205 = arith.cmpi eq, %iota3A_36, %eq3A_204 : vector<16x64xi32>
      %broadcast_in_dim3A_206 = vector.shape_cast %slice3A_172 : vector<1x64xf32> to vector<1x64xf32>
      %broadcast_in_dim3A_207 = vector.broadcast %broadcast_in_dim3A_206 : vector<1x64xf32> to vector<16x64xf32>
      %select_n3A_208 = arith.select %eq3A_205, %broadcast_in_dim3A_207, %concatenate3A_198 : vector<16x64xi1>, vector<16x64xf32>
      %select_n3A_209 = arith.select %lt3A_203, %get3A_179, %select_n3A_208 : vector<16x64xi1>, vector<16x64xf32>
      %lt3A_210 = vector.broadcast %broadcast_in_dim3A_195 : vector<1x64xi32> to vector<16x64xi32>
      %lt3A_211 = arith.cmpi slt, %iota3A_36, %lt3A_210 : vector<16x64xi32>
      %eq3A_212 = vector.broadcast %broadcast_in_dim3A_195 : vector<1x64xi32> to vector<16x64xi32>
      %eq3A_213 = arith.cmpi eq, %iota3A_36, %eq3A_212 : vector<16x64xi32>
      %broadcast_in_dim3A_214 = vector.shape_cast %add3A_176 : vector<1x64xi32> to vector<1x64xi32>
      %broadcast_in_dim3A_215 = vector.broadcast %broadcast_in_dim3A_214 : vector<1x64xi32> to vector<16x64xi32>
      %select_n3A_216 = arith.select %eq3A_213, %broadcast_in_dim3A_215, %concatenate3A_201 : vector<16x64xi1>, vector<16x64xi32>
      %select_n3A_217 = arith.select %lt3A_211, %get3A_182, %select_n3A_216 : vector<16x64xi1>, vector<16x64xi32>
      %jit3A_218 = arith.constant -1.000000e+00 : f32
      %broadcast_in_dim3A_219 = vector.broadcast %jit3A_218 : f32 to vector<16x64xf32>
      %select_n3A_220 = arith.select %lt3A_38, %select_n3A_209, %broadcast_in_dim3A_219 : vector<16x64xi1>, vector<16x64xf32>
      %swap3A_221 = arith.constant 0 : index
      %swap3A_222 = arith.constant 0 : index
      %swap3A_223 = vector.load %arg6[%swap3A_221, %swap3A_222] : memref<16x64xf32, #tpu.memory_space<vmem>>, vector<16x64xf32>
      tpu.vector_store %arg6[%swap3A_221, %swap3A_222], %select_n3A_220 {strides = array<i32>} : memref<16x64xf32, #tpu.memory_space<vmem>>, vector<16x64xf32>,
      %jit3A_224 = arith.constant 0 : i32
      %broadcast_in_dim3A_225 = vector.broadcast %jit3A_224 : i32 to vector<16x64xi32>
      %select_n3A_226 = arith.select %lt3A_38, %select_n3A_217, %broadcast_in_dim3A_225 : vector<16x64xi1>, vector<16x64xi32>
      %swap3A_227 = arith.constant 0 : index
      %swap3A_228 = arith.constant 0 : index
      %swap3A_229 = vector.load %arg7[%swap3A_227, %swap3A_228] : memref<16x64xi32, #tpu.memory_space<vmem>>, vector<16x64xi32>
      tpu.vector_store %arg7[%swap3A_227, %swap3A_228], %select_n3A_226 {strides = array<i32>} : memref<16x64xi32, #tpu.memory_space<vmem>>, vector<16x64xi32>,
    } else {
    }
    %gt3A_74 = arith.constant 7 : i32
    %gt3A_75 = arith.cmpi sgt, %reduce_max3A_35, %gt3A_74 : i32
    %convert_element_type3A_76 = arith.extui %gt3A_75 : i1 to i32
    %cond3A_77 = arith.constant 0 : i32
    %cond3A_78 = arith.cmpi ne, %convert_element_type3A_76, %cond3A_77 : i32
    scf.if %cond3A_78 {
      %get3A_94 = arith.constant 0 : index
      %get3A_95 = arith.constant 0 : index
      %get3A_96 = vector.load %arg8[%get3A_94, %get3A_95] : memref<512x128xf32, #tpu.memory_space<vmem>>, vector<512x128xf32>
      %reduce_max3A_97 = arith.constant dense<0xFF800000> : vector<128xf32>
      %reduce_max3A_98 = vector.multi_reduction <maximumf>, %get3A_96, %reduce_max3A_97 [0] : vector<512x128xf32> to vector<128xf32>
      %broadcast_in_dim3A_99 = vector.shape_cast %reduce_max3A_98 : vector<128xf32> to vector<1x128xf32>
      %eq3A_100 = vector.broadcast %broadcast_in_dim3A_99 : vector<1x128xf32> to vector<512x128xf32>
      %eq3A_101 = arith.cmpf oeq, %get3A_96, %eq3A_100 : vector<512x128xf32>
      %jit3A = arith.constant 512 : i32
      %broadcast_in_dim3A_102 = vector.broadcast %jit3A : i32 to vector<512x128xi32>
      %select_n3A = arith.select %eq3A_101, %iota3A, %broadcast_in_dim3A_102 : vector<512x128xi1>, vector<512x128xi32>
      %reduce_min3A = arith.constant dense<2147483647> : vector<128xi32>
      %reduce_min3A_103 = vector.multi_reduction <minsi>, %select_n3A, %reduce_min3A [0] : vector<512x128xi32> to vector<128xi32>
      %broadcast_in_dim3A_104 = vector.shape_cast %reduce_min3A_103 : vector<128xi32> to vector<1x128xi32>
      %eq3A_105 = vector.broadcast %broadcast_in_dim3A_104 : vector<1x128xi32> to vector<512x128xi32>
      %eq3A_106 = arith.cmpi eq, %iota3A, %eq3A_105 : vector<512x128xi32>
      %jit3A_107 = arith.constant -1.000000e+00 : f32
      %broadcast_in_dim3A_108 = vector.broadcast %jit3A_107 : f32 to vector<512x128xf32>
      %select_n3A_109 = arith.select %eq3A_106, %broadcast_in_dim3A_108, %get3A_96 : vector<512x128xi1>, vector<512x128xf32>
      %swap3A_110 = arith.constant 0 : index
      %swap3A_111 = arith.constant 0 : index
      %swap3A_112 = vector.load %arg8[%swap3A_110, %swap3A_111] : memref<512x128xf32, #tpu.memory_space<vmem>>, vector<512x128xf32>
      tpu.vector_store %arg8[%swap3A_110, %swap3A_111], %select_n3A_109 {strides = array<i32>} : memref<512x128xf32, #tpu.memory_space<vmem>>, vector<512x128xf32>,
      %mul3A = arith.constant 1024 : i32
      %mul3A_113 = arith.muli %arg0, %mul3A : i32
      %add3A_114 = vector.broadcast %mul3A_113 : i32 to vector<1x128xi32>
      %add3A_115 = arith.addi %add3A_114, %broadcast_in_dim3A_104 : vector<1x128xi32>
      %slice3A_116 = vector.extract_strided_slice %broadcast_in_dim3A_99 {offsets = [0, 0], sizes = [1, 64], strides = [1, 1]} : vector<1x128xf32> to vector<1x64xf32>
      %slice3A_117 = vector.extract_strided_slice %add3A_115 {offsets = [0, 0], sizes = [1, 64], strides = [1, 1]} : vector<1x128xi32> to vector<1x64xi32>
      %add3A_118 = arith.constant 0 : i32
      %add3A_119 = vector.broadcast %add3A_118 : i32 to vector<1x64xi32>
      %add3A_120 = arith.addi %slice3A_117, %add3A_119 : vector<1x64xi32>
      %get3A_121 = arith.constant 0 : index
      %get3A_122 = arith.constant 0 : index
      %get3A_123 = vector.load %arg6[%get3A_121, %get3A_122] : memref<16x64xf32, #tpu.memory_space<vmem>>, vector<16x64xf32>
      %get3A_124 = arith.constant 0 : index
      %get3A_125 = arith.constant 0 : index
      %get3A_126 = vector.load %arg7[%get3A_124, %get3A_125] : memref<16x64xi32, #tpu.memory_space<vmem>>, vector<16x64xi32>
      %gt3A_127 = vector.broadcast %slice3A_116 : vector<1x64xf32> to vector<16x64xf32>
      %gt3A_128 = arith.cmpf ogt, %get3A_123, %gt3A_127 : vector<16x64xf32>
      %eq3A_129 = vector.broadcast %slice3A_116 : vector<1x64xf32> to vector<16x64xf32>
      %eq3A_130 = arith.cmpf oeq, %get3A_123, %eq3A_129 : vector<16x64xf32>
      %lt3A_131 = vector.broadcast %add3A_120 : vector<1x64xi32> to vector<16x64xi32>
      %lt3A_132 = arith.cmpi slt, %get3A_126, %lt3A_131 : vector<16x64xi32>
      %and3A = arith.andi %eq3A_130, %lt3A_132 : vector<16x64xi1>
      %or3A = arith.ori %gt3A_128, %and3A : vector<16x64xi1>
      %and3A_133 = arith.andi %or3A, %lt3A_38 : vector<16x64xi1>
      %convert_element_type3A_134 = arith.extui %and3A_133 : vector<16x64xi1> to vector<16x64xi32>
      %reduce_sum3A_135 = arith.constant dense<0> : vector<64xi32>
      %reduce_sum3A_136 = vector.multi_reduction <add>, %convert_element_type3A_134, %reduce_sum3A_135 [0] : vector<16x64xi32> to vector<64xi32>
      %broadcast_in_dim3A_137 = vector.shape_cast %reduce_sum3A_136 : vector<64xi32> to vector<1x64xi32>
      %slice3A_138 = vector.extract_strided_slice %get3A_123 {offsets = [0, 0], sizes = [1, 64], strides = [1, 1]} : vector<16x64xf32> to vector<1x64xf32>
      %slice3A_139 = vector.extract_strided_slice %get3A_123 {offsets = [0, 0], sizes = [15, 64], strides = [1, 1]} : vector<16x64xf32> to vector<15x64xf32>
      %concatenate3A_140 = tpu.concatenate %slice3A_138, %slice3A_139 in 0 : vector<1x64xf32>, vector<15x64xf32> -> vector<16x64xf32>
      %slice3A_141 = vector.extract_strided_slice %get3A_126 {offsets = [0, 0], sizes = [1, 64], strides = [1, 1]} : vector<16x64xi32> to vector<1x64xi32>
      %slice3A_142 = vector.extract_strided_slice %get3A_126 {offsets = [0, 0], sizes = [15, 64], strides = [1, 1]} : vector<16x64xi32> to vector<15x64xi32>
      %concatenate3A_143 = tpu.concatenate %slice3A_141, %slice3A_142 in 0 : vector<1x64xi32>, vector<15x64xi32> -> vector<16x64xi32>
      %lt3A_144 = vector.broadcast %broadcast_in_dim3A_137 : vector<1x64xi32> to vector<16x64xi32>
      %lt3A_145 = arith.cmpi slt, %iota3A_36, %lt3A_144 : vector<16x64xi32>
      %eq3A_146 = vector.broadcast %broadcast_in_dim3A_137 : vector<1x64xi32> to vector<16x64xi32>
      %eq3A_147 = arith.cmpi eq, %iota3A_36, %eq3A_146 : vector<16x64xi32>
      %broadcast_in_dim3A_148 = vector.shape_cast %slice3A_116 : vector<1x64xf32> to vector<1x64xf32>
      %broadcast_in_dim3A_149 = vector.broadcast %broadcast_in_dim3A_148 : vector<1x64xf32> to vector<16x64xf32>
      %select_n3A_150 = arith.select %eq3A_147, %broadcast_in_dim3A_149, %concatenate3A_140 : vector<16x64xi1>, vector<16x64xf32>
      %select_n3A_151 = arith.select %lt3A_145, %get3A_123, %select_n3A_150 : vector<16x64xi1>, vector<16x64xf32>
      %lt3A_152 = vector.broadcast %broadcast_in_dim3A_137 : vector<1x64xi32> to vector<16x64xi32>
      %lt3A_153 = arith.cmpi slt, %iota3A_36, %lt3A_152 : vector<16x64xi32>
      %eq3A_154 = vector.broadcast %broadcast_in_dim3A_137 : vector<1x64xi32> to vector<16x64xi32>
      %eq3A_155 = arith.cmpi eq, %iota3A_36, %eq3A_154 : vector<16x64xi32>
      %broadcast_in_dim3A_156 = vector.shape_cast %add3A_120 : vector<1x64xi32> to vector<1x64xi32>
      %broadcast_in_dim3A_157 = vector.broadcast %broadcast_in_dim3A_156 : vector<1x64xi32> to vector<16x64xi32>
      %select_n3A_158 = arith.select %eq3A_155, %broadcast_in_dim3A_157, %concatenate3A_143 : vector<16x64xi1>, vector<16x64xi32>
      %select_n3A_159 = arith.select %lt3A_153, %get3A_126, %select_n3A_158 : vector<16x64xi1>, vector<16x64xi32>
      %jit3A_160 = arith.constant -1.000000e+00 : f32
      %broadcast_in_dim3A_161 = vector.broadcast %jit3A_160 : f32 to vector<16x64xf32>
      %select_n3A_162 = arith.select %lt3A_38, %select_n3A_151, %broadcast_in_dim3A_161 : vector<16x64xi1>, vector<16x64xf32>
      %swap3A_163 = arith.constant 0 : index
      %swap3A_164 = arith.constant 0 : index
      %swap3A_165 = vector.load %arg6[%swap3A_163, %swap3A_164] : memref<16x64xf32, #tpu.memory_space<vmem>>, vector<16x64xf32>
      tpu.vector_store %arg6[%swap3A_163, %swap3A_164], %select_n3A_162 {strides = array<i32>} : memref<16x64xf32, #tpu.memory_space<vmem>>, vector<16x64xf32>,
      %jit3A_166 = arith.constant 0 : i32
      %broadcast_in_dim3A_167 = vector.broadcast %jit3A_166 : i32 to vector<16x64xi32>
      %select_n3A_168 = arith.select %lt3A_38, %select_n3A_159, %broadcast_in_dim3A_167 : vector<16x64xi1>, vector<16x64xi32>
      %swap3A_169 = arith.constant 0 : index
      %swap3A_170 = arith.constant 0 : index
      %swap3A_171 = vector.load %arg7[%swap3A_169, %swap3A_170] : memref<16x64xi32, #tpu.memory_space<vmem>>, vector<16x64xi32>
      tpu.vector_store %arg7[%swap3A_169, %swap3A_170], %select_n3A_168 {strides = array<i32>} : memref<16x64xi32, #tpu.memory_space<vmem>>, vector<16x64xi32>,
      %slice3A_172 = vector.extract_strided_slice %broadcast_in_dim3A_99 {offsets = [0, 64], sizes = [1, 64], strides = [1, 1]} : vector<1x128xf32> to vector<1x64xf32>
      %slice3A_173 = vector.extract_strided_slice %add3A_115 {offsets = [0, 64], sizes = [1, 64], strides = [1, 1]} : vector<1x128xi32> to vector<1x64xi32>
      %add3A_174 = arith.constant 512 : i32
      %add3A_175 = vector.broadcast %add3A_174 : i32 to vector<1x64xi32>
      %add3A_176 = arith.addi %slice3A_173, %add3A_175 : vector<1x64xi32>
      %get3A_177 = arith.constant 0 : index
      %get3A_178 = arith.constant 0 : index
      %get3A_179 = vector.load %arg6[%get3A_177, %get3A_178] : memref<16x64xf32, #tpu.memory_space<vmem>>, vector<16x64xf32>
      %get3A_180 = arith.constant 0 : index
      %get3A_181 = arith.constant 0 : index
      %get3A_182 = vector.load %arg7[%get3A_180, %get3A_181] : memref<16x64xi32, #tpu.memory_space<vmem>>, vector<16x64xi32>
      %gt3A_183 = vector.broadcast %slice3A_172 : vector<1x64xf32> to vector<16x64xf32>
      %gt3A_184 = arith.cmpf ogt, %get3A_179, %gt3A_183 : vector<16x64xf32>
      %eq3A_185 = vector.broadcast %slice3A_172 : vector<1x64xf32> to vector<16x64xf32>
      %eq3A_186 = arith.cmpf oeq, %get3A_179, %eq3A_185 : vector<16x64xf32>
      %lt3A_187 = vector.broadcast %add3A_176 : vector<1x64xi32> to vector<16x64xi32>
      %lt3A_188 = arith.cmpi slt, %get3A_182, %lt3A_187 : vector<16x64xi32>
      %and3A_189 = arith.andi %eq3A_186, %lt3A_188 : vector<16x64xi1>
      %or3A_190 = arith.ori %gt3A_184, %and3A_189 : vector<16x64xi1>
      %and3A_191 = arith.andi %or3A_190, %lt3A_38 : vector<16x64xi1>
      %convert_element_type3A_192 = arith.extui %and3A_191 : vector<16x64xi1> to vector<16x64xi32>
      %reduce_sum3A_193 = arith.constant dense<0> : vector<64xi32>
      %reduce_sum3A_194 = vector.multi_reduction <add>, %convert_element_type3A_192, %reduce_sum3A_193 [0] : vector<16x64xi32> to vector<64xi32>
      %broadcast_in_dim3A_195 = vector.shape_cast %reduce_sum3A_194 : vector<64xi32> to vector<1x64xi32>
      %slice3A_196 = vector.extract_strided_slice %get3A_179 {offsets = [0, 0], sizes = [1, 64], strides = [1, 1]} : vector<16x64xf32> to vector<1x64xf32>
      %slice3A_197 = vector.extract_strided_slice %get3A_179 {offsets = [0, 0], sizes = [15, 64], strides = [1, 1]} : vector<16x64xf32> to vector<15x64xf32>
      %concatenate3A_198 = tpu.concatenate %slice3A_196, %slice3A_197 in 0 : vector<1x64xf32>, vector<15x64xf32> -> vector<16x64xf32>
      %slice3A_199 = vector.extract_strided_slice %get3A_182 {offsets = [0, 0], sizes = [1, 64], strides = [1, 1]} : vector<16x64xi32> to vector<1x64xi32>
      %slice3A_200 = vector.extract_strided_slice %get3A_182 {offsets = [0, 0], sizes = [15, 64], strides = [1, 1]} : vector<16x64xi32> to vector<15x64xi32>
      %concatenate3A_201 = tpu.concatenate %slice3A_199, %slice3A_200 in 0 : vector<1x64xi32>, vector<15x64xi32> -> vector<16x64xi32>
      %lt3A_202 = vector.broadcast %broadcast_in_dim3A_195 : vector<1x64xi32> to vector<16x64xi32>
      %lt3A_203 = arith.cmpi slt, %iota3A_36, %lt3A_202 : vector<16x64xi32>
      %eq3A_204 = vector.broadcast %broadcast_in_dim3A_195 : vector<1x64xi32> to vector<16x64xi32>
      %eq3A_205 = arith.cmpi eq, %iota3A_36, %eq3A_204 : vector<16x64xi32>
      %broadcast_in_dim3A_206 = vector.shape_cast %slice3A_172 : vector<1x64xf32> to vector<1x64xf32>
      %broadcast_in_dim3A_207 = vector.broadcast %broadcast_in_dim3A_206 : vector<1x64xf32> to vector<16x64xf32>
      %select_n3A_208 = arith.select %eq3A_205, %broadcast_in_dim3A_207, %concatenate3A_198 : vector<16x64xi1>, vector<16x64xf32>
      %select_n3A_209 = arith.select %lt3A_203, %get3A_179, %select_n3A_208 : vector<16x64xi1>, vector<16x64xf32>
      %lt3A_210 = vector.broadcast %broadcast_in_dim3A_195 : vector<1x64xi32> to vector<16x64xi32>
      %lt3A_211 = arith.cmpi slt, %iota3A_36, %lt3A_210 : vector<16x64xi32>
      %eq3A_212 = vector.broadcast %broadcast_in_dim3A_195 : vector<1x64xi32> to vector<16x64xi32>
      %eq3A_213 = arith.cmpi eq, %iota3A_36, %eq3A_212 : vector<16x64xi32>
      %broadcast_in_dim3A_214 = vector.shape_cast %add3A_176 : vector<1x64xi32> to vector<1x64xi32>
      %broadcast_in_dim3A_215 = vector.broadcast %broadcast_in_dim3A_214 : vector<1x64xi32> to vector<16x64xi32>
      %select_n3A_216 = arith.select %eq3A_213, %broadcast_in_dim3A_215, %concatenate3A_201 : vector<16x64xi1>, vector<16x64xi32>
      %select_n3A_217 = arith.select %lt3A_211, %get3A_182, %select_n3A_216 : vector<16x64xi1>, vector<16x64xi32>
      %jit3A_218 = arith.constant -1.000000e+00 : f32
      %broadcast_in_dim3A_219 = vector.broadcast %jit3A_218 : f32 to vector<16x64xf32>
      %select_n3A_220 = arith.select %lt3A_38, %select_n3A_209, %broadcast_in_dim3A_219 : vector<16x64xi1>, vector<16x64xf32>
      %swap3A_221 = arith.constant 0 : index
      %swap3A_222 = arith.constant 0 : index
      %swap3A_223 = vector.load %arg6[%swap3A_221, %swap3A_222] : memref<16x64xf32, #tpu.memory_space<vmem>>, vector<16x64xf32>
      tpu.vector_store %arg6[%swap3A_221, %swap3A_222], %select_n3A_220 {strides = array<i32>} : memref<16x64xf32, #tpu.memory_space<vmem>>, vector<16x64xf32>,
      %jit3A_224 = arith.constant 0 : i32
      %broadcast_in_dim3A_225 = vector.broadcast %jit3A_224 : i32 to vector<16x64xi32>
      %select_n3A_226 = arith.select %lt3A_38, %select_n3A_217, %broadcast_in_dim3A_225 : vector<16x64xi1>, vector<16x64xi32>
      %swap3A_227 = arith.constant 0 : index
      %swap3A_228 = arith.constant 0 : index
      %swap3A_229 = vector.load %arg7[%swap3A_227, %swap3A_228] : memref<16x64xi32, #tpu.memory_space<vmem>>, vector<16x64xi32>
      tpu.vector_store %arg7[%swap3A_227, %swap3A_228], %select_n3A_226 {strides = array<i32>} : memref<16x64xi32, #tpu.memory_space<vmem>>, vector<16x64xi32>,
    } else {
    }
    %gt3A_79 = arith.constant 8 : i32
    %gt3A_80 = arith.cmpi sgt, %reduce_max3A_35, %gt3A_79 : i32
    %convert_element_type3A_81 = arith.extui %gt3A_80 : i1 to i32
    %cond3A_82 = arith.constant 0 : i32
    %cond3A_83 = arith.cmpi ne, %convert_element_type3A_81, %cond3A_82 : i32
    scf.if %cond3A_83 {
      %get3A_94 = arith.constant 0 : index
      %get3A_95 = arith.constant 0 : index
      %get3A_96 = vector.load %arg8[%get3A_94, %get3A_95] : memref<512x128xf32, #tpu.memory_space<vmem>>, vector<512x128xf32>
      %reduce_max3A_97 = arith.constant dense<0xFF800000> : vector<128xf32>
      %reduce_max3A_98 = vector.multi_reduction <maximumf>, %get3A_96, %reduce_max3A_97 [0] : vector<512x128xf32> to vector<128xf32>
      %broadcast_in_dim3A_99 = vector.shape_cast %reduce_max3A_98 : vector<128xf32> to vector<1x128xf32>
      %eq3A_100 = vector.broadcast %broadcast_in_dim3A_99 : vector<1x128xf32> to vector<512x128xf32>
      %eq3A_101 = arith.cmpf oeq, %get3A_96, %eq3A_100 : vector<512x128xf32>
      %jit3A = arith.constant 512 : i32
      %broadcast_in_dim3A_102 = vector.broadcast %jit3A : i32 to vector<512x128xi32>
      %select_n3A = arith.select %eq3A_101, %iota3A, %broadcast_in_dim3A_102 : vector<512x128xi1>, vector<512x128xi32>
      %reduce_min3A = arith.constant dense<2147483647> : vector<128xi32>
      %reduce_min3A_103 = vector.multi_reduction <minsi>, %select_n3A, %reduce_min3A [0] : vector<512x128xi32> to vector<128xi32>
      %broadcast_in_dim3A_104 = vector.shape_cast %reduce_min3A_103 : vector<128xi32> to vector<1x128xi32>
      %eq3A_105 = vector.broadcast %broadcast_in_dim3A_104 : vector<1x128xi32> to vector<512x128xi32>
      %eq3A_106 = arith.cmpi eq, %iota3A, %eq3A_105 : vector<512x128xi32>
      %jit3A_107 = arith.constant -1.000000e+00 : f32
      %broadcast_in_dim3A_108 = vector.broadcast %jit3A_107 : f32 to vector<512x128xf32>
      %select_n3A_109 = arith.select %eq3A_106, %broadcast_in_dim3A_108, %get3A_96 : vector<512x128xi1>, vector<512x128xf32>
      %swap3A_110 = arith.constant 0 : index
      %swap3A_111 = arith.constant 0 : index
      %swap3A_112 = vector.load %arg8[%swap3A_110, %swap3A_111] : memref<512x128xf32, #tpu.memory_space<vmem>>, vector<512x128xf32>
      tpu.vector_store %arg8[%swap3A_110, %swap3A_111], %select_n3A_109 {strides = array<i32>} : memref<512x128xf32, #tpu.memory_space<vmem>>, vector<512x128xf32>,
      %mul3A = arith.constant 1024 : i32
      %mul3A_113 = arith.muli %arg0, %mul3A : i32
      %add3A_114 = vector.broadcast %mul3A_113 : i32 to vector<1x128xi32>
      %add3A_115 = arith.addi %add3A_114, %broadcast_in_dim3A_104 : vector<1x128xi32>
      %slice3A_116 = vector.extract_strided_slice %broadcast_in_dim3A_99 {offsets = [0, 0], sizes = [1, 64], strides = [1, 1]} : vector<1x128xf32> to vector<1x64xf32>
      %slice3A_117 = vector.extract_strided_slice %add3A_115 {offsets = [0, 0], sizes = [1, 64], strides = [1, 1]} : vector<1x128xi32> to vector<1x64xi32>
      %add3A_118 = arith.constant 0 : i32
      %add3A_119 = vector.broadcast %add3A_118 : i32 to vector<1x64xi32>
      %add3A_120 = arith.addi %slice3A_117, %add3A_119 : vector<1x64xi32>
      %get3A_121 = arith.constant 0 : index
      %get3A_122 = arith.constant 0 : index
      %get3A_123 = vector.load %arg6[%get3A_121, %get3A_122] : memref<16x64xf32, #tpu.memory_space<vmem>>, vector<16x64xf32>
      %get3A_124 = arith.constant 0 : index
      %get3A_125 = arith.constant 0 : index
      %get3A_126 = vector.load %arg7[%get3A_124, %get3A_125] : memref<16x64xi32, #tpu.memory_space<vmem>>, vector<16x64xi32>
      %gt3A_127 = vector.broadcast %slice3A_116 : vector<1x64xf32> to vector<16x64xf32>
      %gt3A_128 = arith.cmpf ogt, %get3A_123, %gt3A_127 : vector<16x64xf32>
      %eq3A_129 = vector.broadcast %slice3A_116 : vector<1x64xf32> to vector<16x64xf32>
      %eq3A_130 = arith.cmpf oeq, %get3A_123, %eq3A_129 : vector<16x64xf32>
      %lt3A_131 = vector.broadcast %add3A_120 : vector<1x64xi32> to vector<16x64xi32>
      %lt3A_132 = arith.cmpi slt, %get3A_126, %lt3A_131 : vector<16x64xi32>
      %and3A = arith.andi %eq3A_130, %lt3A_132 : vector<16x64xi1>
      %or3A = arith.ori %gt3A_128, %and3A : vector<16x64xi1>
      %and3A_133 = arith.andi %or3A, %lt3A_38 : vector<16x64xi1>
      %convert_element_type3A_134 = arith.extui %and3A_133 : vector<16x64xi1> to vector<16x64xi32>
      %reduce_sum3A_135 = arith.constant dense<0> : vector<64xi32>
      %reduce_sum3A_136 = vector.multi_reduction <add>, %convert_element_type3A_134, %reduce_sum3A_135 [0] : vector<16x64xi32> to vector<64xi32>
      %broadcast_in_dim3A_137 = vector.shape_cast %reduce_sum3A_136 : vector<64xi32> to vector<1x64xi32>
      %slice3A_138 = vector.extract_strided_slice %get3A_123 {offsets = [0, 0], sizes = [1, 64], strides = [1, 1]} : vector<16x64xf32> to vector<1x64xf32>
      %slice3A_139 = vector.extract_strided_slice %get3A_123 {offsets = [0, 0], sizes = [15, 64], strides = [1, 1]} : vector<16x64xf32> to vector<15x64xf32>
      %concatenate3A_140 = tpu.concatenate %slice3A_138, %slice3A_139 in 0 : vector<1x64xf32>, vector<15x64xf32> -> vector<16x64xf32>
      %slice3A_141 = vector.extract_strided_slice %get3A_126 {offsets = [0, 0], sizes = [1, 64], strides = [1, 1]} : vector<16x64xi32> to vector<1x64xi32>
      %slice3A_142 = vector.extract_strided_slice %get3A_126 {offsets = [0, 0], sizes = [15, 64], strides = [1, 1]} : vector<16x64xi32> to vector<15x64xi32>
      %concatenate3A_143 = tpu.concatenate %slice3A_141, %slice3A_142 in 0 : vector<1x64xi32>, vector<15x64xi32> -> vector<16x64xi32>
      %lt3A_144 = vector.broadcast %broadcast_in_dim3A_137 : vector<1x64xi32> to vector<16x64xi32>
      %lt3A_145 = arith.cmpi slt, %iota3A_36, %lt3A_144 : vector<16x64xi32>
      %eq3A_146 = vector.broadcast %broadcast_in_dim3A_137 : vector<1x64xi32> to vector<16x64xi32>
      %eq3A_147 = arith.cmpi eq, %iota3A_36, %eq3A_146 : vector<16x64xi32>
      %broadcast_in_dim3A_148 = vector.shape_cast %slice3A_116 : vector<1x64xf32> to vector<1x64xf32>
      %broadcast_in_dim3A_149 = vector.broadcast %broadcast_in_dim3A_148 : vector<1x64xf32> to vector<16x64xf32>
      %select_n3A_150 = arith.select %eq3A_147, %broadcast_in_dim3A_149, %concatenate3A_140 : vector<16x64xi1>, vector<16x64xf32>
      %select_n3A_151 = arith.select %lt3A_145, %get3A_123, %select_n3A_150 : vector<16x64xi1>, vector<16x64xf32>
      %lt3A_152 = vector.broadcast %broadcast_in_dim3A_137 : vector<1x64xi32> to vector<16x64xi32>
      %lt3A_153 = arith.cmpi slt, %iota3A_36, %lt3A_152 : vector<16x64xi32>
      %eq3A_154 = vector.broadcast %broadcast_in_dim3A_137 : vector<1x64xi32> to vector<16x64xi32>
      %eq3A_155 = arith.cmpi eq, %iota3A_36, %eq3A_154 : vector<16x64xi32>
      %broadcast_in_dim3A_156 = vector.shape_cast %add3A_120 : vector<1x64xi32> to vector<1x64xi32>
      %broadcast_in_dim3A_157 = vector.broadcast %broadcast_in_dim3A_156 : vector<1x64xi32> to vector<16x64xi32>
      %select_n3A_158 = arith.select %eq3A_155, %broadcast_in_dim3A_157, %concatenate3A_143 : vector<16x64xi1>, vector<16x64xi32>
      %select_n3A_159 = arith.select %lt3A_153, %get3A_126, %select_n3A_158 : vector<16x64xi1>, vector<16x64xi32>
      %jit3A_160 = arith.constant -1.000000e+00 : f32
      %broadcast_in_dim3A_161 = vector.broadcast %jit3A_160 : f32 to vector<16x64xf32>
      %select_n3A_162 = arith.select %lt3A_38, %select_n3A_151, %broadcast_in_dim3A_161 : vector<16x64xi1>, vector<16x64xf32>
      %swap3A_163 = arith.constant 0 : index
      %swap3A_164 = arith.constant 0 : index
      %swap3A_165 = vector.load %arg6[%swap3A_163, %swap3A_164] : memref<16x64xf32, #tpu.memory_space<vmem>>, vector<16x64xf32>
      tpu.vector_store %arg6[%swap3A_163, %swap3A_164], %select_n3A_162 {strides = array<i32>} : memref<16x64xf32, #tpu.memory_space<vmem>>, vector<16x64xf32>,
      %jit3A_166 = arith.constant 0 : i32
      %broadcast_in_dim3A_167 = vector.broadcast %jit3A_166 : i32 to vector<16x64xi32>
      %select_n3A_168 = arith.select %lt3A_38, %select_n3A_159, %broadcast_in_dim3A_167 : vector<16x64xi1>, vector<16x64xi32>
      %swap3A_169 = arith.constant 0 : index
      %swap3A_170 = arith.constant 0 : index
      %swap3A_171 = vector.load %arg7[%swap3A_169, %swap3A_170] : memref<16x64xi32, #tpu.memory_space<vmem>>, vector<16x64xi32>
      tpu.vector_store %arg7[%swap3A_169, %swap3A_170], %select_n3A_168 {strides = array<i32>} : memref<16x64xi32, #tpu.memory_space<vmem>>, vector<16x64xi32>,
      %slice3A_172 = vector.extract_strided_slice %broadcast_in_dim3A_99 {offsets = [0, 64], sizes = [1, 64], strides = [1, 1]} : vector<1x128xf32> to vector<1x64xf32>
      %slice3A_173 = vector.extract_strided_slice %add3A_115 {offsets = [0, 64], sizes = [1, 64], strides = [1, 1]} : vector<1x128xi32> to vector<1x64xi32>
      %add3A_174 = arith.constant 512 : i32
      %add3A_175 = vector.broadcast %add3A_174 : i32 to vector<1x64xi32>
      %add3A_176 = arith.addi %slice3A_173, %add3A_175 : vector<1x64xi32>
      %get3A_177 = arith.constant 0 : index
      %get3A_178 = arith.constant 0 : index
      %get3A_179 = vector.load %arg6[%get3A_177, %get3A_178] : memref<16x64xf32, #tpu.memory_space<vmem>>, vector<16x64xf32>
      %get3A_180 = arith.constant 0 : index
      %get3A_181 = arith.constant 0 : index
      %get3A_182 = vector.load %arg7[%get3A_180, %get3A_181] : memref<16x64xi32, #tpu.memory_space<vmem>>, vector<16x64xi32>
      %gt3A_183 = vector.broadcast %slice3A_172 : vector<1x64xf32> to vector<16x64xf32>
      %gt3A_184 = arith.cmpf ogt, %get3A_179, %gt3A_183 : vector<16x64xf32>
      %eq3A_185 = vector.broadcast %slice3A_172 : vector<1x64xf32> to vector<16x64xf32>
      %eq3A_186 = arith.cmpf oeq, %get3A_179, %eq3A_185 : vector<16x64xf32>
      %lt3A_187 = vector.broadcast %add3A_176 : vector<1x64xi32> to vector<16x64xi32>
      %lt3A_188 = arith.cmpi slt, %get3A_182, %lt3A_187 : vector<16x64xi32>
      %and3A_189 = arith.andi %eq3A_186, %lt3A_188 : vector<16x64xi1>
      %or3A_190 = arith.ori %gt3A_184, %and3A_189 : vector<16x64xi1>
      %and3A_191 = arith.andi %or3A_190, %lt3A_38 : vector<16x64xi1>
      %convert_element_type3A_192 = arith.extui %and3A_191 : vector<16x64xi1> to vector<16x64xi32>
      %reduce_sum3A_193 = arith.constant dense<0> : vector<64xi32>
      %reduce_sum3A_194 = vector.multi_reduction <add>, %convert_element_type3A_192, %reduce_sum3A_193 [0] : vector<16x64xi32> to vector<64xi32>
      %broadcast_in_dim3A_195 = vector.shape_cast %reduce_sum3A_194 : vector<64xi32> to vector<1x64xi32>
      %slice3A_196 = vector.extract_strided_slice %get3A_179 {offsets = [0, 0], sizes = [1, 64], strides = [1, 1]} : vector<16x64xf32> to vector<1x64xf32>
      %slice3A_197 = vector.extract_strided_slice %get3A_179 {offsets = [0, 0], sizes = [15, 64], strides = [1, 1]} : vector<16x64xf32> to vector<15x64xf32>
      %concatenate3A_198 = tpu.concatenate %slice3A_196, %slice3A_197 in 0 : vector<1x64xf32>, vector<15x64xf32> -> vector<16x64xf32>
      %slice3A_199 = vector.extract_strided_slice %get3A_182 {offsets = [0, 0], sizes = [1, 64], strides = [1, 1]} : vector<16x64xi32> to vector<1x64xi32>
      %slice3A_200 = vector.extract_strided_slice %get3A_182 {offsets = [0, 0], sizes = [15, 64], strides = [1, 1]} : vector<16x64xi32> to vector<15x64xi32>
      %concatenate3A_201 = tpu.concatenate %slice3A_199, %slice3A_200 in 0 : vector<1x64xi32>, vector<15x64xi32> -> vector<16x64xi32>
      %lt3A_202 = vector.broadcast %broadcast_in_dim3A_195 : vector<1x64xi32> to vector<16x64xi32>
      %lt3A_203 = arith.cmpi slt, %iota3A_36, %lt3A_202 : vector<16x64xi32>
      %eq3A_204 = vector.broadcast %broadcast_in_dim3A_195 : vector<1x64xi32> to vector<16x64xi32>
      %eq3A_205 = arith.cmpi eq, %iota3A_36, %eq3A_204 : vector<16x64xi32>
      %broadcast_in_dim3A_206 = vector.shape_cast %slice3A_172 : vector<1x64xf32> to vector<1x64xf32>
      %broadcast_in_dim3A_207 = vector.broadcast %broadcast_in_dim3A_206 : vector<1x64xf32> to vector<16x64xf32>
      %select_n3A_208 = arith.select %eq3A_205, %broadcast_in_dim3A_207, %concatenate3A_198 : vector<16x64xi1>, vector<16x64xf32>
      %select_n3A_209 = arith.select %lt3A_203, %get3A_179, %select_n3A_208 : vector<16x64xi1>, vector<16x64xf32>
      %lt3A_210 = vector.broadcast %broadcast_in_dim3A_195 : vector<1x64xi32> to vector<16x64xi32>
      %lt3A_211 = arith.cmpi slt, %iota3A_36, %lt3A_210 : vector<16x64xi32>
      %eq3A_212 = vector.broadcast %broadcast_in_dim3A_195 : vector<1x64xi32> to vector<16x64xi32>
      %eq3A_213 = arith.cmpi eq, %iota3A_36, %eq3A_212 : vector<16x64xi32>
      %broadcast_in_dim3A_214 = vector.shape_cast %add3A_176 : vector<1x64xi32> to vector<1x64xi32>
      %broadcast_in_dim3A_215 = vector.broadcast %broadcast_in_dim3A_214 : vector<1x64xi32> to vector<16x64xi32>
      %select_n3A_216 = arith.select %eq3A_213, %broadcast_in_dim3A_215, %concatenate3A_201 : vector<16x64xi1>, vector<16x64xi32>
      %select_n3A_217 = arith.select %lt3A_211, %get3A_182, %select_n3A_216 : vector<16x64xi1>, vector<16x64xi32>
      %jit3A_218 = arith.constant -1.000000e+00 : f32
      %broadcast_in_dim3A_219 = vector.broadcast %jit3A_218 : f32 to vector<16x64xf32>
      %select_n3A_220 = arith.select %lt3A_38, %select_n3A_209, %broadcast_in_dim3A_219 : vector<16x64xi1>, vector<16x64xf32>
      %swap3A_221 = arith.constant 0 : index
      %swap3A_222 = arith.constant 0 : index
      %swap3A_223 = vector.load %arg6[%swap3A_221, %swap3A_222] : memref<16x64xf32, #tpu.memory_space<vmem>>, vector<16x64xf32>
      tpu.vector_store %arg6[%swap3A_221, %swap3A_222], %select_n3A_220 {strides = array<i32>} : memref<16x64xf32, #tpu.memory_space<vmem>>, vector<16x64xf32>,
      %jit3A_224 = arith.constant 0 : i32
      %broadcast_in_dim3A_225 = vector.broadcast %jit3A_224 : i32 to vector<16x64xi32>
      %select_n3A_226 = arith.select %lt3A_38, %select_n3A_217, %broadcast_in_dim3A_225 : vector<16x64xi1>, vector<16x64xi32>
      %swap3A_227 = arith.constant 0 : index
      %swap3A_228 = arith.constant 0 : index
      %swap3A_229 = vector.load %arg7[%swap3A_227, %swap3A_228] : memref<16x64xi32, #tpu.memory_space<vmem>>, vector<16x64xi32>
      tpu.vector_store %arg7[%swap3A_227, %swap3A_228], %select_n3A_226 {strides = array<i32>} : memref<16x64xi32, #tpu.memory_space<vmem>>, vector<16x64xi32>,
    } else {
    }
    %gt3A_84 = arith.constant 9 : i32
    %gt3A_85 = arith.cmpi sgt, %reduce_max3A_35, %gt3A_84 : i32
    %convert_element_type3A_86 = arith.extui %gt3A_85 : i1 to i32
    %cond3A_87 = arith.constant 0 : i32
    %cond3A_88 = arith.cmpi ne, %convert_element_type3A_86, %cond3A_87 : i32
    scf.if %cond3A_88 {
      %get3A_94 = arith.constant 0 : index
      %get3A_95 = arith.constant 0 : index
      %get3A_96 = vector.load %arg8[%get3A_94, %get3A_95] : memref<512x128xf32, #tpu.memory_space<vmem>>, vector<512x128xf32>
      %reduce_max3A_97 = arith.constant dense<0xFF800000> : vector<128xf32>
      %reduce_max3A_98 = vector.multi_reduction <maximumf>, %get3A_96, %reduce_max3A_97 [0] : vector<512x128xf32> to vector<128xf32>
      %broadcast_in_dim3A_99 = vector.shape_cast %reduce_max3A_98 : vector<128xf32> to vector<1x128xf32>
      %eq3A_100 = vector.broadcast %broadcast_in_dim3A_99 : vector<1x128xf32> to vector<512x128xf32>
      %eq3A_101 = arith.cmpf oeq, %get3A_96, %eq3A_100 : vector<512x128xf32>
      %jit3A = arith.constant 512 : i32
      %broadcast_in_dim3A_102 = vector.broadcast %jit3A : i32 to vector<512x128xi32>
      %select_n3A = arith.select %eq3A_101, %iota3A, %broadcast_in_dim3A_102 : vector<512x128xi1>, vector<512x128xi32>
      %reduce_min3A = arith.constant dense<2147483647> : vector<128xi32>
      %reduce_min3A_103 = vector.multi_reduction <minsi>, %select_n3A, %reduce_min3A [0] : vector<512x128xi32> to vector<128xi32>
      %broadcast_in_dim3A_104 = vector.shape_cast %reduce_min3A_103 : vector<128xi32> to vector<1x128xi32>
      %eq3A_105 = vector.broadcast %broadcast_in_dim3A_104 : vector<1x128xi32> to vector<512x128xi32>
      %eq3A_106 = arith.cmpi eq, %iota3A, %eq3A_105 : vector<512x128xi32>
      %jit3A_107 = arith.constant -1.000000e+00 : f32
      %broadcast_in_dim3A_108 = vector.broadcast %jit3A_107 : f32 to vector<512x128xf32>
      %select_n3A_109 = arith.select %eq3A_106, %broadcast_in_dim3A_108, %get3A_96 : vector<512x128xi1>, vector<512x128xf32>
      %swap3A_110 = arith.constant 0 : index
      %swap3A_111 = arith.constant 0 : index
      %swap3A_112 = vector.load %arg8[%swap3A_110, %swap3A_111] : memref<512x128xf32, #tpu.memory_space<vmem>>, vector<512x128xf32>
      tpu.vector_store %arg8[%swap3A_110, %swap3A_111], %select_n3A_109 {strides = array<i32>} : memref<512x128xf32, #tpu.memory_space<vmem>>, vector<512x128xf32>,
      %mul3A = arith.constant 1024 : i32
      %mul3A_113 = arith.muli %arg0, %mul3A : i32
      %add3A_114 = vector.broadcast %mul3A_113 : i32 to vector<1x128xi32>
      %add3A_115 = arith.addi %add3A_114, %broadcast_in_dim3A_104 : vector<1x128xi32>
      %slice3A_116 = vector.extract_strided_slice %broadcast_in_dim3A_99 {offsets = [0, 0], sizes = [1, 64], strides = [1, 1]} : vector<1x128xf32> to vector<1x64xf32>
      %slice3A_117 = vector.extract_strided_slice %add3A_115 {offsets = [0, 0], sizes = [1, 64], strides = [1, 1]} : vector<1x128xi32> to vector<1x64xi32>
      %add3A_118 = arith.constant 0 : i32
      %add3A_119 = vector.broadcast %add3A_118 : i32 to vector<1x64xi32>
      %add3A_120 = arith.addi %slice3A_117, %add3A_119 : vector<1x64xi32>
      %get3A_121 = arith.constant 0 : index
      %get3A_122 = arith.constant 0 : index
      %get3A_123 = vector.load %arg6[%get3A_121, %get3A_122] : memref<16x64xf32, #tpu.memory_space<vmem>>, vector<16x64xf32>
      %get3A_124 = arith.constant 0 : index
      %get3A_125 = arith.constant 0 : index
      %get3A_126 = vector.load %arg7[%get3A_124, %get3A_125] : memref<16x64xi32, #tpu.memory_space<vmem>>, vector<16x64xi32>
      %gt3A_127 = vector.broadcast %slice3A_116 : vector<1x64xf32> to vector<16x64xf32>
      %gt3A_128 = arith.cmpf ogt, %get3A_123, %gt3A_127 : vector<16x64xf32>
      %eq3A_129 = vector.broadcast %slice3A_116 : vector<1x64xf32> to vector<16x64xf32>
      %eq3A_130 = arith.cmpf oeq, %get3A_123, %eq3A_129 : vector<16x64xf32>
      %lt3A_131 = vector.broadcast %add3A_120 : vector<1x64xi32> to vector<16x64xi32>
      %lt3A_132 = arith.cmpi slt, %get3A_126, %lt3A_131 : vector<16x64xi32>
      %and3A = arith.andi %eq3A_130, %lt3A_132 : vector<16x64xi1>
      %or3A = arith.ori %gt3A_128, %and3A : vector<16x64xi1>
      %and3A_133 = arith.andi %or3A, %lt3A_38 : vector<16x64xi1>
      %convert_element_type3A_134 = arith.extui %and3A_133 : vector<16x64xi1> to vector<16x64xi32>
      %reduce_sum3A_135 = arith.constant dense<0> : vector<64xi32>
      %reduce_sum3A_136 = vector.multi_reduction <add>, %convert_element_type3A_134, %reduce_sum3A_135 [0] : vector<16x64xi32> to vector<64xi32>
      %broadcast_in_dim3A_137 = vector.shape_cast %reduce_sum3A_136 : vector<64xi32> to vector<1x64xi32>
      %slice3A_138 = vector.extract_strided_slice %get3A_123 {offsets = [0, 0], sizes = [1, 64], strides = [1, 1]} : vector<16x64xf32> to vector<1x64xf32>
      %slice3A_139 = vector.extract_strided_slice %get3A_123 {offsets = [0, 0], sizes = [15, 64], strides = [1, 1]} : vector<16x64xf32> to vector<15x64xf32>
      %concatenate3A_140 = tpu.concatenate %slice3A_138, %slice3A_139 in 0 : vector<1x64xf32>, vector<15x64xf32> -> vector<16x64xf32>
      %slice3A_141 = vector.extract_strided_slice %get3A_126 {offsets = [0, 0], sizes = [1, 64], strides = [1, 1]} : vector<16x64xi32> to vector<1x64xi32>
      %slice3A_142 = vector.extract_strided_slice %get3A_126 {offsets = [0, 0], sizes = [15, 64], strides = [1, 1]} : vector<16x64xi32> to vector<15x64xi32>
      %concatenate3A_143 = tpu.concatenate %slice3A_141, %slice3A_142 in 0 : vector<1x64xi32>, vector<15x64xi32> -> vector<16x64xi32>
      %lt3A_144 = vector.broadcast %broadcast_in_dim3A_137 : vector<1x64xi32> to vector<16x64xi32>
      %lt3A_145 = arith.cmpi slt, %iota3A_36, %lt3A_144 : vector<16x64xi32>
      %eq3A_146 = vector.broadcast %broadcast_in_dim3A_137 : vector<1x64xi32> to vector<16x64xi32>
      %eq3A_147 = arith.cmpi eq, %iota3A_36, %eq3A_146 : vector<16x64xi32>
      %broadcast_in_dim3A_148 = vector.shape_cast %slice3A_116 : vector<1x64xf32> to vector<1x64xf32>
      %broadcast_in_dim3A_149 = vector.broadcast %broadcast_in_dim3A_148 : vector<1x64xf32> to vector<16x64xf32>
      %select_n3A_150 = arith.select %eq3A_147, %broadcast_in_dim3A_149, %concatenate3A_140 : vector<16x64xi1>, vector<16x64xf32>
      %select_n3A_151 = arith.select %lt3A_145, %get3A_123, %select_n3A_150 : vector<16x64xi1>, vector<16x64xf32>
      %lt3A_152 = vector.broadcast %broadcast_in_dim3A_137 : vector<1x64xi32> to vector<16x64xi32>
      %lt3A_153 = arith.cmpi slt, %iota3A_36, %lt3A_152 : vector<16x64xi32>
      %eq3A_154 = vector.broadcast %broadcast_in_dim3A_137 : vector<1x64xi32> to vector<16x64xi32>
      %eq3A_155 = arith.cmpi eq, %iota3A_36, %eq3A_154 : vector<16x64xi32>
      %broadcast_in_dim3A_156 = vector.shape_cast %add3A_120 : vector<1x64xi32> to vector<1x64xi32>
      %broadcast_in_dim3A_157 = vector.broadcast %broadcast_in_dim3A_156 : vector<1x64xi32> to vector<16x64xi32>
      %select_n3A_158 = arith.select %eq3A_155, %broadcast_in_dim3A_157, %concatenate3A_143 : vector<16x64xi1>, vector<16x64xi32>
      %select_n3A_159 = arith.select %lt3A_153, %get3A_126, %select_n3A_158 : vector<16x64xi1>, vector<16x64xi32>
      %jit3A_160 = arith.constant -1.000000e+00 : f32
      %broadcast_in_dim3A_161 = vector.broadcast %jit3A_160 : f32 to vector<16x64xf32>
      %select_n3A_162 = arith.select %lt3A_38, %select_n3A_151, %broadcast_in_dim3A_161 : vector<16x64xi1>, vector<16x64xf32>
      %swap3A_163 = arith.constant 0 : index
      %swap3A_164 = arith.constant 0 : index
      %swap3A_165 = vector.load %arg6[%swap3A_163, %swap3A_164] : memref<16x64xf32, #tpu.memory_space<vmem>>, vector<16x64xf32>
      tpu.vector_store %arg6[%swap3A_163, %swap3A_164], %select_n3A_162 {strides = array<i32>} : memref<16x64xf32, #tpu.memory_space<vmem>>, vector<16x64xf32>,
      %jit3A_166 = arith.constant 0 : i32
      %broadcast_in_dim3A_167 = vector.broadcast %jit3A_166 : i32 to vector<16x64xi32>
      %select_n3A_168 = arith.select %lt3A_38, %select_n3A_159, %broadcast_in_dim3A_167 : vector<16x64xi1>, vector<16x64xi32>
      %swap3A_169 = arith.constant 0 : index
      %swap3A_170 = arith.constant 0 : index
      %swap3A_171 = vector.load %arg7[%swap3A_169, %swap3A_170] : memref<16x64xi32, #tpu.memory_space<vmem>>, vector<16x64xi32>
      tpu.vector_store %arg7[%swap3A_169, %swap3A_170], %select_n3A_168 {strides = array<i32>} : memref<16x64xi32, #tpu.memory_space<vmem>>, vector<16x64xi32>,
      %slice3A_172 = vector.extract_strided_slice %broadcast_in_dim3A_99 {offsets = [0, 64], sizes = [1, 64], strides = [1, 1]} : vector<1x128xf32> to vector<1x64xf32>
      %slice3A_173 = vector.extract_strided_slice %add3A_115 {offsets = [0, 64], sizes = [1, 64], strides = [1, 1]} : vector<1x128xi32> to vector<1x64xi32>
      %add3A_174 = arith.constant 512 : i32
      %add3A_175 = vector.broadcast %add3A_174 : i32 to vector<1x64xi32>
      %add3A_176 = arith.addi %slice3A_173, %add3A_175 : vector<1x64xi32>
      %get3A_177 = arith.constant 0 : index
      %get3A_178 = arith.constant 0 : index
      %get3A_179 = vector.load %arg6[%get3A_177, %get3A_178] : memref<16x64xf32, #tpu.memory_space<vmem>>, vector<16x64xf32>
      %get3A_180 = arith.constant 0 : index
      %get3A_181 = arith.constant 0 : index
      %get3A_182 = vector.load %arg7[%get3A_180, %get3A_181] : memref<16x64xi32, #tpu.memory_space<vmem>>, vector<16x64xi32>
      %gt3A_183 = vector.broadcast %slice3A_172 : vector<1x64xf32> to vector<16x64xf32>
      %gt3A_184 = arith.cmpf ogt, %get3A_179, %gt3A_183 : vector<16x64xf32>
      %eq3A_185 = vector.broadcast %slice3A_172 : vector<1x64xf32> to vector<16x64xf32>
      %eq3A_186 = arith.cmpf oeq, %get3A_179, %eq3A_185 : vector<16x64xf32>
      %lt3A_187 = vector.broadcast %add3A_176 : vector<1x64xi32> to vector<16x64xi32>
      %lt3A_188 = arith.cmpi slt, %get3A_182, %lt3A_187 : vector<16x64xi32>
      %and3A_189 = arith.andi %eq3A_186, %lt3A_188 : vector<16x64xi1>
      %or3A_190 = arith.ori %gt3A_184, %and3A_189 : vector<16x64xi1>
      %and3A_191 = arith.andi %or3A_190, %lt3A_38 : vector<16x64xi1>
      %convert_element_type3A_192 = arith.extui %and3A_191 : vector<16x64xi1> to vector<16x64xi32>
      %reduce_sum3A_193 = arith.constant dense<0> : vector<64xi32>
      %reduce_sum3A_194 = vector.multi_reduction <add>, %convert_element_type3A_192, %reduce_sum3A_193 [0] : vector<16x64xi32> to vector<64xi32>
      %broadcast_in_dim3A_195 = vector.shape_cast %reduce_sum3A_194 : vector<64xi32> to vector<1x64xi32>
      %slice3A_196 = vector.extract_strided_slice %get3A_179 {offsets = [0, 0], sizes = [1, 64], strides = [1, 1]} : vector<16x64xf32> to vector<1x64xf32>
      %slice3A_197 = vector.extract_strided_slice %get3A_179 {offsets = [0, 0], sizes = [15, 64], strides = [1, 1]} : vector<16x64xf32> to vector<15x64xf32>
      %concatenate3A_198 = tpu.concatenate %slice3A_196, %slice3A_197 in 0 : vector<1x64xf32>, vector<15x64xf32> -> vector<16x64xf32>
      %slice3A_199 = vector.extract_strided_slice %get3A_182 {offsets = [0, 0], sizes = [1, 64], strides = [1, 1]} : vector<16x64xi32> to vector<1x64xi32>
      %slice3A_200 = vector.extract_strided_slice %get3A_182 {offsets = [0, 0], sizes = [15, 64], strides = [1, 1]} : vector<16x64xi32> to vector<15x64xi32>
      %concatenate3A_201 = tpu.concatenate %slice3A_199, %slice3A_200 in 0 : vector<1x64xi32>, vector<15x64xi32> -> vector<16x64xi32>
      %lt3A_202 = vector.broadcast %broadcast_in_dim3A_195 : vector<1x64xi32> to vector<16x64xi32>
      %lt3A_203 = arith.cmpi slt, %iota3A_36, %lt3A_202 : vector<16x64xi32>
      %eq3A_204 = vector.broadcast %broadcast_in_dim3A_195 : vector<1x64xi32> to vector<16x64xi32>
      %eq3A_205 = arith.cmpi eq, %iota3A_36, %eq3A_204 : vector<16x64xi32>
      %broadcast_in_dim3A_206 = vector.shape_cast %slice3A_172 : vector<1x64xf32> to vector<1x64xf32>
      %broadcast_in_dim3A_207 = vector.broadcast %broadcast_in_dim3A_206 : vector<1x64xf32> to vector<16x64xf32>
      %select_n3A_208 = arith.select %eq3A_205, %broadcast_in_dim3A_207, %concatenate3A_198 : vector<16x64xi1>, vector<16x64xf32>
      %select_n3A_209 = arith.select %lt3A_203, %get3A_179, %select_n3A_208 : vector<16x64xi1>, vector<16x64xf32>
      %lt3A_210 = vector.broadcast %broadcast_in_dim3A_195 : vector<1x64xi32> to vector<16x64xi32>
      %lt3A_211 = arith.cmpi slt, %iota3A_36, %lt3A_210 : vector<16x64xi32>
      %eq3A_212 = vector.broadcast %broadcast_in_dim3A_195 : vector<1x64xi32> to vector<16x64xi32>
      %eq3A_213 = arith.cmpi eq, %iota3A_36, %eq3A_212 : vector<16x64xi32>
      %broadcast_in_dim3A_214 = vector.shape_cast %add3A_176 : vector<1x64xi32> to vector<1x64xi32>
      %broadcast_in_dim3A_215 = vector.broadcast %broadcast_in_dim3A_214 : vector<1x64xi32> to vector<16x64xi32>
      %select_n3A_216 = arith.select %eq3A_213, %broadcast_in_dim3A_215, %concatenate3A_201 : vector<16x64xi1>, vector<16x64xi32>
      %select_n3A_217 = arith.select %lt3A_211, %get3A_182, %select_n3A_216 : vector<16x64xi1>, vector<16x64xi32>
      %jit3A_218 = arith.constant -1.000000e+00 : f32
      %broadcast_in_dim3A_219 = vector.broadcast %jit3A_218 : f32 to vector<16x64xf32>
      %select_n3A_220 = arith.select %lt3A_38, %select_n3A_209, %broadcast_in_dim3A_219 : vector<16x64xi1>, vector<16x64xf32>
      %swap3A_221 = arith.constant 0 : index
      %swap3A_222 = arith.constant 0 : index
      %swap3A_223 = vector.load %arg6[%swap3A_221, %swap3A_222] : memref<16x64xf32, #tpu.memory_space<vmem>>, vector<16x64xf32>
      tpu.vector_store %arg6[%swap3A_221, %swap3A_222], %select_n3A_220 {strides = array<i32>} : memref<16x64xf32, #tpu.memory_space<vmem>>, vector<16x64xf32>,
      %jit3A_224 = arith.constant 0 : i32
      %broadcast_in_dim3A_225 = vector.broadcast %jit3A_224 : i32 to vector<16x64xi32>
      %select_n3A_226 = arith.select %lt3A_38, %select_n3A_217, %broadcast_in_dim3A_225 : vector<16x64xi1>, vector<16x64xi32>
      %swap3A_227 = arith.constant 0 : index
      %swap3A_228 = arith.constant 0 : index
      %swap3A_229 = vector.load %arg7[%swap3A_227, %swap3A_228] : memref<16x64xi32, #tpu.memory_space<vmem>>, vector<16x64xi32>
      tpu.vector_store %arg7[%swap3A_227, %swap3A_228], %select_n3A_226 {strides = array<i32>} : memref<16x64xi32, #tpu.memory_space<vmem>>, vector<16x64xi32>,
    } else {
    }
    %eq3A_89 = arith.constant 15 : i32
    %eq3A_90 = arith.cmpi eq, %arg0, %eq3A_89 : i32
    %convert_element_type3A_91 = arith.extui %eq3A_90 : i1 to i32
    %cond3A_92 = arith.constant 0 : i32
    %cond3A_93 = arith.cmpi ne, %convert_element_type3A_91, %cond3A_92 : i32
    scf.if %cond3A_93 {
      %get3A_94 = arith.constant 0 : index
      %get3A_95 = arith.constant 0 : index
      %get3A_96 = vector.load %arg6[%get3A_94, %get3A_95] : memref<16x64xf32, #tpu.memory_space<vmem>>, vector<16x64xf32>
      %jit3A = arith.constant 1.000000e+00 : f32
      %broadcast_in_dim3A_97 = vector.broadcast %jit3A : f32 to vector<16x64xf32>
      %select_n3A = arith.select %lt3A_38, %get3A_96, %broadcast_in_dim3A_97 : vector<16x64xi1>, vector<16x64xf32>
      %log3A = math.log %select_n3A : vector<16x64xf32>
      %reduce_sum3A_98 = vector.shape_cast %log3A : vector<16x64xf32> to vector<1x16x64xf32>
      %reduce_sum3A_99 = arith.constant dense<0.000000e+00> : vector<1xf32>
      %reduce_sum3A_100 = vector.multi_reduction <add>, %reduce_sum3A_98, %reduce_sum3A_99 [1, 2] : vector<1x16x64xf32> to vector<1xf32>
      %reduce_sum3A_101 = vector.shape_cast %reduce_sum3A_100 : vector<1xf32> to vector<1x1x1xf32>
      %reduce_sum3A_102 = vector.extract %reduce_sum3A_101[0, 0, 0] : f32 from vector<1x1x1xf32>
      %neg3A = arith.constant 0.000000e+00 : f32
      %neg3A_103 = arith.subf %neg3A, %reduce_sum3A_102 : f32
      %div3A_104 = arith.constant 6.400000e+02 : f32
      %div3A_105 = arith.divf %neg3A_103, %div3A_104 : f32
      %reshape3A = vector.broadcast %div3A_105 : f32 to vector<1x1xf32>
      %swap3A_106 = arith.constant 0 : index
      %swap3A_107 = arith.constant 0 : index
      %swap3A_108 = vector.load %arg4[%swap3A_106, %swap3A_107] : memref<1x1xf32, #tpu.memory_space<vmem>>, vector<1x1xf32>
      tpu.vector_store %arg4[%swap3A_106, %swap3A_107], %reshape3A {strides = array<i32>} : memref<1x1xf32, #tpu.memory_space<vmem>>, vector<1x1xf32>,
      %get3A_109 = arith.constant 0 : index
      %get3A_110 = arith.constant 0 : index
      %get3A_111 = vector.load %arg7[%get3A_109, %get3A_110] : memref<16x64xi32, #tpu.memory_space<vmem>>, vector<16x64xi32>
      %swap3A_112 = arith.constant 0 : index
      %swap3A_113 = arith.constant 0 : index
      %swap3A_114 = vector.load %arg5[%swap3A_112, %swap3A_113] : memref<16x64xi32, #tpu.memory_space<vmem>>, vector<16x64xi32>
      tpu.vector_store %arg5[%swap3A_112, %swap3A_113], %get3A_111 {strides = array<i32>} : memref<16x64xi32, #tpu.memory_space<vmem>>, vector<16x64xi32>,
    } else {
    }
    return
  }
  func.func @transform_0(%arg0: i32) -> (i32, i32) {
    %c0_i32 = arith.constant 0 : i32
    %c0_i32_0 = arith.constant 0 : i32
    return %arg0, %c0_i32 : i32, i32
  }
  func.func @transform_1(%arg0: i32) -> (i32, i32) {
    %c0_i32 = arith.constant 0 : i32
    %c0_i32_0 = arith.constant 0 : i32
    %c0_i32_1 = arith.constant 0 : i32
    return %c0_i32, %c0_i32_0 : i32, i32
  }
  func.func @transform_2(%arg0: i32) -> (i32, i32) {
    %c0_i32 = arith.constant 0 : i32
    %c0_i32_0 = arith.constant 0 : i32
    %c0_i32_1 = arith.constant 0 : i32
    return %c0_i32, %c0_i32_0 : i32, i32
  }
  func.func @transform_3(%arg0: i32) -> (i32, i32) {
    %c0_i32 = arith.constant 0 : i32
    %c0_i32_0 = arith.constant 0 : i32
    %c0_i32_1 = arith.constant 0 : i32
    return %c0_i32, %c0_i32_0 : i32, i32
  }
  func.func @transform_4(%arg0: i32) -> (i32, i32) {
    %c0_i32 = arith.constant 0 : i32
    %c0_i32_0 = arith.constant 0 : i32
    %c0_i32_1 = arith.constant 0 : i32
    return %c0_i32, %c0_i32_0 : i32, i32
  }
}

</mosaic_0001>

<sc_bundles>
// kernel: kernel.5.cloned.1.call-start
scs
__scs_entry_jumppad:
0x0: {  	(pc) =	sbr.rel $0x88, $3  }
0x1: {  	(tag) =	ssettag $0x0;
	lr =	simm.s32 $0x1  }
0x2: {  	[smem:$0x3F9D] =	sst lr;
	_ =	strace $0xD0000000  }
0x3: {  	_ = 	snop  }
0x4: {  	_ = 	snop  }
0x5: {  	_ = 	snop  }
0x6: {  	_ = 	snop  }
0x7: {  	_ = 	snop  }
__scs_overlays_trampoline_lowered:
0x8: {  	[smem:$0x3FAC] =	sst s0  }
0x9: {  	[smem:$0x3FAD] =	sst s1  }
0xa: {  	[smem:$0x3FAE] =	sst s2  }
0xb: {  	[smem:$0x3FAF] =	sst s3  }
0xc: {  	[smem:$0x3FB0] =	sst s4  }
0xd: {  	[smem:$0x3FB1] =	sst s5  }
0xe: {  	[smem:$0x3FB2] =	sst s6  }
0xf: {  	[smem:$0x3FB3] =	sst s7  }
0x10: {  	[smem:$0x3FB4] =	sst s8  }
0x11: {  	[smem:$0x3FB5] =	sst s9;
	s0 =	simm.s32 @!p0 $0x0  }
0x12: {  	s1 =	sld [smem:$0x3F9B];
	s0 =	simm.s32 @p0 $0x1  }
0x13: {  	[smem:$0x3FB6] =	sst s0;
	s0 =	simm.s32 @!p1 $0x0  }
0x14: {  	s2 =	sld [smem:$0x3F9A];
	s0 =	simm.s32 @p1 $0x1  }
0x15: {  	[smem:$0x3FB7] =	sst s0;
	s0 =	simm.s32 @!p2 $0x0  }
0x16: {  	s3 =	sld [smem:$0x3FDB];
	s0 =	simm.s32 @p2 $0x1  }
0x17: {  	s4 =	simm.s32 $0x1BF5;
	[smem:$0x3FB9] =	sst s0  }
0x18: {  	s0 =	sld [smem:$0x3F9C];
	_ =	swait.ge [sflag:s4], $0x0  }
0x19: {  	s7 =	sld [smem:$0x3F9D]  }
0x1a: {  	s8 =	sadd.s32 $0xFFFFE003, lr  }
0x1b: {  	s9 =	sadd.s32 $0xFFFFFEF7, lr;
	s5 =	simm.s32 $0xFFFFFFFF;
	p2 =	slt.u32 s8, $0xFFFFF086  }
0x1c: {  	p1 =	slt.u32 s9, $0xF7A;
	s5 =	simm.s32 @!p2 $0x0  }
0x1d: {  	s5 =	simm.s32 @p1 $0x1;
	p0 =	seq.s32 s7, s2  }
0x1e: {  	s7 =	smul.u32 @!p0 $0xF7A, s2;
	p2 =	seq.s32 @!p0 s5, $0x0  }
0x1f: {  	s9 =	smul.u32 $0xF7A, s1;
	s8 =	simm.s32 @!p0 $0x1BF5;
	p2 =	por !p2, p0  }
0x20: {  	[sflag:s8] =	ssyncset.s32 @!p0 $0xFFFFF086;
	s6 =	sadd.s32 @!p0 s3, s7;
	s7 =	simm.s32 @!p0 $0x108  }
0x21: {  	s3 =	sadd.s32 s3, s9;
	s6 =	sadd.s32 @!p0 $0x88, s6;
	s7 =	simm.s32 @p2 $0x1082  }
0x22: {  	[simem:s7], [sflag:s8] =	dma.local @!p0 [hbm:s6], $0xF7A  }
0x23: {  	s9 =	sor.u32 $0xD0000000, s2;
	s6 =	simm.s32 $0x108;
	_ =	swait.ge @!p0 [sflag:s8], $0x0  }
0x24: {  	s3 =	sadd.s32 $0x88, s3;
	s6 =	simm.s32 @!p1 $0x1082;
	[sflag:s4] =	ssyncset.s32 $0xFFFFF086  }
0x25: {  	[simem:s6], [sflag:s4] =	dma.local [hbm:s3], $0xF7A  }
0x26: {  	[smem:$0x3F9D] =	sst s1;
	(tag) =	ssettag s2;
	_ =	strace s9  }
0x27: {  	s1 =	sld [smem:$0x3FAD]  }
0x28: {  	s2 =	sld [smem:$0x3FAE]  }
0x29: {  	s4 =	sld [smem:$0x3FB0]  }
0x2a: {  	p0 =	seq.s32 s5, $0x0;
	s5 =	sld [smem:$0x3FB1]  }
0x2b: {  	s6 =	sld [smem:$0x3FB2]  }
0x2c: {  	s7 =	sld [smem:$0x3FB3]  }
0x2d: {  	s3 =	simm.s32 $0x108;
	s8 =	sld [smem:$0x3FB4]  }
0x2e: {  	s3 =	simm.s32 @!p0 $0x1082;
	s9 =	sld [smem:$0x3FB5]  }
0x2f: {  	lr =	sadd.s32 s0, s3;
	s0 =	sld [smem:$0x3FAC]  }
0x30: {  	s3 =	sld [smem:$0x3FAF]  }
0x31: {  	[smem:$0x3FB8] =	sst s10  }
0x32: {  	s10 =	sld [smem:$0x3FB6];
	_ =	sdelay $0x3  }
0x33: {  	p0 =	seq.s32 s10, $0x1;
	s10 =	sld [smem:$0x3FB8];
	_ =	sdelay $0x3  }
0x34: {  	[smem:$0x3FB8] =	sst s10  }
0x35: {  	s10 =	sld [smem:$0x3FB7];
	_ =	sdelay $0x3  }
0x36: {  	p1 =	seq.s32 s10, $0x1;
	s10 =	sld [smem:$0x3FB8];
	_ =	sdelay $0x3  }
0x37: {  	[smem:$0x3FB8] =	sst s10  }
0x38: {  	s10 =	sld [smem:$0x3FB9]  }
0x39: {  	_ = 	snop;
	(pc) =	sbr.ind lr, $3  }
0x3a: {  	_ = 	snop  }
0x3b: {  	_ = 	snop  }
0x3c: {  	p2 =	seq.s32 s10, $0x1;
	s10 =	sld [smem:$0x3FB8]  }
0x3d: {  	_ =	shalt  }
0x3e: {  	_ =	shalt  }
0x3f: {  	_ =	shalt  }
0x40: {  	_ =	shalt  }
0x41: {  	_ =	shalt  }
0x42: {  	_ =	shalt  }
0x43: {  	_ =	shalt  }
0x44: {  	_ =	shalt  }
0x45: {  	_ =	shalt  }
0x46: {  	_ =	shalt  }
0x47: {  	_ =	shalt  }
0x48: {  	_ =	shalt  }
0x49: {  	_ =	shalt  }
0x4a: {  	_ =	shalt  }
0x4b: {  	_ =	shalt  }
0x4c: {  	_ =	shalt  }
0x4d: {  	_ =	shalt  }
0x4e: {  	_ =	shalt  }
0x4f: {  	_ =	shalt  }
0x50: {  	_ =	shalt  }
0x51: {  	_ =	shalt  }
0x52: {  	_ =	shalt  }
0x53: {  	_ =	shalt  }
0x54: {  	_ =	shalt  }
0x55: {  	_ =	shalt  }
0x56: {  	_ =	shalt  }
0x57: {  	_ =	shalt  }
0x58: {  	_ =	shalt  }
0x59: {  	_ =	shalt  }
0x5a: {  	_ =	shalt  }
0x5b: {  	_ =	shalt  }
0x5c: {  	_ =	shalt  }
0x5d: {  	_ =	shalt  }
0x5e: {  	_ =	shalt  }
0x5f: {  	_ =	shalt  }
0x60: {  	_ =	shalt  }
0x61: {  	_ =	shalt  }
0x62: {  	_ =	shalt  }
0x63: {  	_ =	shalt  }
0x64: {  	_ =	shalt  }
0x65: {  	_ =	shalt  }
0x66: {  	_ =	shalt  }
0x67: {  	_ =	shalt  }
0x68: {  	_ =	shalt  }
0x69: {  	_ =	shalt  }
0x6a: {  	_ =	shalt  }
0x6b: {  	_ =	shalt  }
0x6c: {  	_ =	shalt  }
0x6d: {  	_ =	shalt  }
0x6e: {  	_ =	shalt  }
0x6f: {  	_ =	shalt  }
0x70: {  	_ =	shalt  }
0x71: {  	_ =	shalt  }
0x72: {  	_ =	shalt  }
0x73: {  	_ =	shalt  }
0x74: {  	_ =	shalt  }
0x75: {  	_ =	shalt  }
0x76: {  	_ =	shalt  }
0x77: {  	_ =	shalt  }
0x78: {  	_ =	shalt  }
0x79: {  	_ =	shalt  }
0x7a: {  	_ =	shalt  }
0x7b: {  	_ =	shalt  }
0x7c: {  	_ =	shalt  }
0x7d: {  	_ =	shalt  }
0x7e: {  	_ =	shalt  }
0x7f: {  	_ =	shalt  }
0x80: {  	_ =	shalt  }
0x81: {  	_ =	shalt  }
0x82: {  	_ =	shalt  }
0x83: {  	_ =	shalt  }
0x84: {  	_ =	shalt  }
0x85: {  	_ =	shalt  }
0x86: {  	_ =	shalt  }
0x87: {  	_ =	shalt  }
.Lfunc_end0:
.L_simem_size_0:
called_computation_lowered:
.L_overlay_start_0:
0x88: {  	s2 =	sld [smem:$0x3FD9]  }
0x89: {  	s3 =	sld [smem:$0x3FFE];
	_ =	sdelay $0x1  }
0x8a: {  	s1 =	srdreg.scid  }
0x8b: {  	s0 =	sand.u32 $0x1, s1  }
0x8c: {  	s17 =	sshll.u32 s0, $0xA;
	s2 =	sadd.s32 s3, s2  }
0x8d: {  	s2 =	sadd.s32 s2, s17  }
0x8e: {  	[smem:$0x3FC4] =	sst s2  }
0x8f: {  	_ = 	snop  }
0x90: {  	s2 =	sld [smem:$0x3FC8];
	(tm) =	ssettm $0x1  }
0x91: {  	s18 =	sld [smem:$0x3FFB];
	_ =	sdelay $0x3  }
0x92: {  	_ =	strace s18  }
0x93: {  	s3 =	sld [smem:$0x3FFC];
	_ =	sdelay $0x3  }
0x94: {  	_ =	strace s3  }
0x95: {  	s3 =	sld [smem:$0x3FFD];
	_ =	sdelay $0x3  }
0x96: {  	_ =	strace s3  }
0x97: {  	_ =	strace $0x8FFFFFFF  }
0x98: {  	s19 =	sld [smem:$0x3FDB];
	_ =	sdelay $0x1  }
0x99: {  	s4 =	simm.s32 $_scs_section_size  }
0x9a: {  	s5 =	simm.s32 $_size__tile_overlayer_lowered;
	s6 =	simm.s32 $_tile_overlayer_lowered  }
0x9b: {  	s22 =	simm.s32 $0x1BFF;
	s21 =	sshll.u32 s6, $0x1;
	s3 =	sadd.s32 s4, s19  }
0x9c: {  	s7 =	simm.s32 $0x0;
	s20 =	sshll.u32 s5, $0x1;
	s5 =	sadd.s32 s21, s3  }
0x9d: {  	[timem:s7], [sflag:s22] =	dma.local [hbm:s5], s20  }
0x9e: {  	_ =	swait.ge [sflag:s22], s20  }
0x9f: {  	s4 =	ssub.s32 $0x0, s20;
	[sflag:s22] =	ssyncset.done $0x0  }
0xa0: {  	[sflag:s22] =	ssyncadd.s32 s4;
	_ =	sdelay $0x1  }
0xa1: {  	s23 =	simm.s32 $0x1B8B  }
0xa2: {  	_ =	swait.ge [sflag:s23], $0x1  }
0xa3: {  	[sflag:s23] =	ssyncset.done $0x0  }
0xa4: {  	s25 =	simm.s32 $0x1B8E;
	s24 =	sld [smem:$0x3FFE];
	[sflag:s23] =	ssyncadd.s32 $0xFFFFFFFF  }
0xa5: {  	s26 =	simm.s32 $execute0_lowered;
	[smem:$0x3FD2] =	sst s25  }
0xa6: {  	s5 =	sshll.u32 s26, $0x1;
	_ =	strace $0x80000046;
	[dreg:$0x1] =	wrdreg $0xFFFFFFFF  }
0xa7: {  	s28 =	simm.s32 $_size_execute0_lowered;
	s3 =	sadd.s32 s3, s5;
	[dreg:$0x0] =	wrdreg $0x0  }
0xa8: {  	s5 =	sshll.u32 s28, $0x1;
	[dreg:$0x2] =	wrdreg s3  }
0xa9: {  	[dreg:$0x3] =	wrdreg s5  }
0xaa: {  	[dreg:$0x4] =	wrdreg $0xC0  }
0xab: {  	_ =	task [dreg:s7], $0x5FFFF  }
0xac: {  	[dreg:$0x1] =	wrdreg $0xFFFFFFFF  }
0xad: {  	[dreg:$0x0] =	wrdreg $0x60  }
0xae: {  	[dreg:$0x2] =	wrdreg s24  }
0xaf: {  	[dreg:$0x3] =	wrdreg s2  }
0xb0: {  	[dreg:$0x4] =	wrdreg $0x9  }
0xb1: {  	_ =	task.clear_ibuf [dreg:s7], $0x5FFFF;
	_ =	strace $0x90000046  }
0xb2: {  	s29 =	simm.s32 $0x9;
	_ =	strace $0x80000048  }
0xb3: {  	_ =	swait.ge [sflag:s29], $0x1  }
0xb4: {  	[sflag:s29] =	ssyncadd.s32 $0xFFFFFFFF  }
0xb5: {  	_ =	strace $0x90000048  }
0xb6: {  	_ =	sfence  }
0xb7: {  	s30 =	sld [smem:$0x0];
	_ =	sdelay $0x2  }
0xb8: {  	s31 =	sshll.u32 s1, $0xD;
	s1 =	sshrl.u32 s1, $0x2  }
0xb9: {  	s3 =	sand.u32 $0x4000, s31;
	s1 =	sadd.s32 s1, s30  }
0xba: {  	s0 =	sor.u32 s3, s0;
	s1 =	sshll.u32 s1, $0x11  }
0xbb: {  	s0 =	sor.u32 s1, s0  }
0xbc: {  	s0 =	sadd.s32 $0x8F2B, s0  }
0xbd: {  	[sflag:s0] =	ssyncadd.remote.s32 $0x1  }
0xbe: {  	_ =	sfence.sel $0xFFFF  }
0xbf: {  	[dreg:$0x0] =	wrdreg $0xFFFFFFFF;
	(pc) =	sbr.abs _section_cstart, $3  }
0xc0: {  	[dreg:$0x1] =	wrdreg $0xFFFFFFFF  }
0xc1: {  	_ =	task.clear_ibuf [dreg:s7], $0x2FFFF;
	_ =	strace $0x9FFFFFFF  }
0xc2: {  	(tm) =	ssettm $0x7FFFFFFF  }
0xc3: {  	_ =	shalt  }
tec
execute0_lowered:
.L_overlay_start_1:
0x0: {  	(tag) =	ssettag $0x1  }
0x1: {  	s1 =	srdreg.scid;
	s0 =	stileid.u32  }
0x2: {  	s11 =	rddreg [dreg:$0x0];
	s12 =	sand.u32 $0x1, s1;
	s31 =	sshll.u32 s0, $0x1  }
0x3: {  	s2 =	rddreg [dreg:$0x1];
	s13 =	sor.u32 s12, s31  }
0x4: {  	s3 =	simm.s32 $0x0;
	s1 =	rddreg [dreg:$0x2];
	s4 =	sshll.u32 s13, $0x2  }
0x5: {  	[smem:$0x7FF] =	sst s3;
	s6 =	sadd.s32 s4, s11  }
0x6: {  	_ =	strace $0x80000047;
	s4 =	simm.s32 $0x2;
	s5 =	sadd.s32 $0xE00, s6  }
0x7: {  	[tilespmem:s3], [sflag:$0x2] =	stream.linear.gather [hbm4b:s5+s3], $0x20, $0x38;
	[tilespmem:$0x200] =	vst v63  }
0x8: {  	_ =	swait.ge [sflag:s4], $0x20  }
0x9: {  	[sflag:s4] =	ssyncset.done $0x0  }
0xa: {  	s7 =	simm.s32 $0x100;
	s6 =	sadd.s32 $0x1000, s6;
	[sflag:s4] =	ssyncadd.s32 $0xFFFFFFE0  }
0xb: {  	[tilespmem:s7], [sflag:$0x2] =	stream.linear.gather [hbm4b:s6+s3], $0x20, $0x38;
	[tilespmem:$0x200] =	vst v63  }
0xc: {  	_ =	swait.ge [sflag:s4], $0x20  }
0xd: {  	s8 =	simm.s32 $0x20;
	[sflag:s4] =	ssyncset.done $0x0  }
0xe: {  	s9 =	simm.s32 $0x80;
	s10 =	simm.s32 $0x1;
	[sflag:s4] =	ssyncadd.s32 $0xFFFFFFE0  }
0xf: {  	[tilespmem:s9], [sflag:$0x1] =	stream.indirect.gather [hbm4b:s2+s8], $0x1, s3, s8, $0xb8;
	[tilespmem:$0x200] =	vst v63  }
0x10: {  	_ =	swait.ge [sflag:s10], $0x20  }
0x11: {  	[sflag:s10] =	ssyncset.done $0x0  }
0x12: {  	[sflag:s10] =	ssyncadd.s32 $0xFFFFFFE0  }
0x13: {  	v1 =	vld [tilespmem:$0x110]  }
0x14: {  	v2 =	vld [tilespmem:$0x80]  }
0x15: {  	s12 =	ssub.s32 $0x2, s12;
	v3 =	vld [tilespmem:$0x90]  }
0x16: {  	s14 =	sshrl.u32 s12, $0x1;
	v4 =	vld [tilespmem:$0x100]  }
0x17: {  	s12 =	ssub.s32 s12, s14  }
0x18: {  	s14 =	smax.u32 s12, $0x1  }
0x19: {  	p0 =	sne.s32 s14, $0x1  }
.Ltmp0:
0x1a: {  	_ = 	snop;
	(pc) =	sbr.rel @!p0 .LBB2_2-.Ltmp0, $4  }
0x1b: {  	v0 =	vimm.s32 $0x0;
	vm0 =	veq.s32 v3, v1;
	vm1 =	veq.s32 v2, v4  }
0x1c: {  	s13 =	sshll.u32 s13, $0x4;
	v1 =	vsel vm0, $0x1, v0;
	v2 =	vsel vm1, $0x1, v0  }
0x1d: {  	s11 =	sadd.s32 s13, s11;
	v1 =	vadd.s32 v2, v1  }
0x1e: {  	s11 =	sadd.s32 $0x1200, s11;
	s12 =	simm.s32 $0x180;
	s13 =	sadd.s32 $0xFFFFFFFF, s14;
	[tilespmem:$0x180] =	vst v1  }
.LBB2_1:
0x1f: {  	[hbm4b:s11+s3] =	stream.linear.scatter [tilespmem:s12], [sflag:$0x2], $0x80, $0x38;
	[tilespmem:$0x200] =	vst v63  }
0x20: {  	p0 =	sne.s32 s13, $0x1;
	s13 =	sadd.s32 $0xFFFFFFFF, s13;
	_ =	swait.ge [sflag:s4], $0x80  }
0x21: {  	[sflag:s4] =	ssyncset.done $0x0  }
0x22: {  	[sflag:s4] =	ssyncadd.s32 $0xFFFFFF80  }
0x23: {  	[tilespmem:s3], [sflag:$0x2] =	stream.linear.gather [hbm4b:s5+s3], $0x20, $0x38;
	[tilespmem:$0x200] =	vst v63  }
0x24: {  	_ =	swait.ge [sflag:s4], $0x20  }
0x25: {  	[sflag:s4] =	ssyncset.done $0x0  }
0x26: {  	[sflag:s4] =	ssyncadd.s32 $0xFFFFFFE0  }
0x27: {  	[tilespmem:s7], [sflag:$0x2] =	stream.linear.gather [hbm4b:s6+s3], $0x20, $0x38;
	[tilespmem:$0x200] =	vst v63  }
0x28: {  	_ =	swait.ge [sflag:s4], $0x20  }
0x29: {  	[sflag:s4] =	ssyncset.done $0x0  }
0x2a: {  	[sflag:s4] =	ssyncadd.s32 $0xFFFFFFE0  }
0x2b: {  	[tilespmem:s9], [sflag:$0x1] =	stream.indirect.gather [hbm4b:s2+s8], $0x1, s3, s8, $0xb8;
	[tilespmem:$0x200] =	vst v63  }
0x2c: {  	_ =	swait.ge [sflag:s10], $0x20  }
0x2d: {  	[sflag:s10] =	ssyncset.done $0x0  }
0x2e: {  	[sflag:s10] =	ssyncadd.s32 $0xFFFFFFE0  }
0x2f: {  	v1 =	vld [tilespmem:$0x110]  }
0x30: {  	v2 =	vld [tilespmem:$0x80]  }
0x31: {  	v3 =	vld [tilespmem:$0x90]  }
0x32: {  	v4 =	vld [tilespmem:$0x100];
	_ =	sdelay $0x3  }
.Ltmp1:
0x33: {  	vm0 =	veq.s32 v3, v1;
	(pc) =	sbr.rel @p0 .LBB2_1-.Ltmp1, $4  }
0x34: {  	vm1 =	veq.s32 v2, v4;
	v1 =	vsel vm0, $0x1, v0  }
0x35: {  	v2 =	vsel vm1, $0x1, v0  }
0x36: {  	v1 =	vadd.s32 v2, v1  }
0x37: {  	[tilespmem:$0x180] =	vst v1  }
.LBB2_2:
0x38: {  	[hbm4b:s11+s3] =	stream.linear.scatter [tilespmem:s12], [sflag:$0x2], $0x80, $0x38;
	[tilespmem:$0x200] =	vst v63  }
0x39: {  	_ =	swait.ge [sflag:s4], $0x80  }
0x3a: {  	[sflag:s4] =	ssyncset.done $0x0  }
0x3b: {  	[sflag:s4] =	ssyncadd.s32 $0xFFFFFF80  }
0x3c: {  	_ =	sfence.sel $0x180000  }
0x3d: {  	[bflag:$0x0] =	sbarrier.arrive $0xFFFF  }
0x3e: {  	p0 =	sne.s32 s0, $0x0;
	_ =	strace $0x90000047  }
0x3f: {  	s0 =	sadd.s32 @!p0 $0x100000, s1;
	[bflag:$0x2] =	sbarrier.arrive $0xFFFF  }
0x40: {  	[sflag:s0] =	ssyncadd.tile.s32 @!p0 $0x1;
	_ =	shalt  }
.Lfunc_end2:
_tile_overlayer_lowered:
.L_overlay_start_2:
0x41: {  	(tag) =	ssettag $0x2  }
0x42: {  	s0 =	rddreg [dreg:$0x0];
	s2 =	stileid.u32  }
0x43: {  	s1 =	rddreg [dreg:$0x1];
	p0 =	sne.s32 s2, $0x0  }
0x44: {  	s3 =	rddreg [dreg:$0x2];
	[bflag:$0x3] =	sbarrier.arrive $0xFFFF;
	s2 =	simm.s32 @!p0 $0x1C02  }
0x45: {  	[timem:s3], [sflag:s2] =	dma.local @!p0 [hbm:s0], s1  }
0x46: {  	s0 =	simm.s32 @!p0 $0x2  }
0x47: {  	_ =	swait.ge @!p0 [sflag:s0], s1  }
0x48: {  	s1 =	ssub.s32 @!p0 $0x0, s1;
	[sflag:s0] =	ssyncset.done @!p0 $0x0  }
0x49: {  	[sflag:s0] =	ssyncadd.s32 @!p0 s1  }
0x4a: {  	[bflag:$0x3] =	sbarrier.arrive $0xFFFF  }
0x4b: {  	_ =	shalt  }

</sc_bundles>
